<compile_context>
chip_gen: v7x
topology: tpu7x:2x2x1
jax: 0.10.2.dev20260603
libtpu: 0.0.44.dev20260713+nightly
codegen_flags: <defaults>
</compile_context>

<pallas_src>
import functools

import jax
import jax.numpy as jnp
from jax import lax
from jax.experimental import pallas as pl
from jax.experimental.pallas import tpu as pltpu
from jax.experimental.pallas import tpu_sc as plsc

N = 10000
E = 320000
C = 128
KB = 1
KD = 5
E_PAD = 32 * 80 * C
PAD = E_PAD - E
N_PAD = 10240
ZR = N_PAD // 16
EPW16 = E_PAD // 16
EPW32 = E_PAD // 32
NB16 = EPW16 // (KB * C)
NB32 = EPW32 // (KB * C)
ND32 = EPW32 // (KD * C)
RT = 1000

_AGG_SCRATCH = [
    pltpu.VMEM((C,), jnp.int32),
    pltpu.VMEM((C,), jnp.int32),
    pltpu.VMEM((C, 128), jnp.float32),
    pltpu.VMEM_SHARED((N_PAD, 128), jnp.float32),
    pltpu.SemaphoreType.DMA,
]


def _agg_chunk(src_hbm, dst_hbm, sbase, dbase, xsrc, sidx, didx, rows, acc,
               sem):
    pltpu.sync_copy(src_hbm.at[pl.ds(sbase, C)], sidx)
    pltpu.sync_copy(dst_hbm.at[pl.ds(dbase, C)], didx)
    pltpu.async_copy(xsrc.at[sidx], rows, sem).wait()
    pltpu.sync_copy(rows, acc.at[didx], add=True)


def _make_agg_edge_split():
    mesh = plsc.VectorSubcoreMesh(core_axis_name="c", subcore_axis_name="s")
    out_t = jax.ShapeDtypeStruct((2 * N_PAD, 128), jnp.float32)

    @functools.partial(pl.kernel, mesh=mesh, out_type=out_t,
                       scratch_types=_AGG_SCRATCH)
    def k(xsrc, src_p, dst_p, zrows, out, *sc):
        sidx, didx, rows, acc, sem = sc
        cid = lax.axis_index("c")
        sid = lax.axis_index("s")
        pltpu.sync_copy(zrows, acc.at[pl.ds(sid * ZR, ZR)])
        plsc.subcore_barrier()
        ebase = (cid * 16 + sid) * EPW32

        @pl.loop(0, EPW32 // C)
        def _chunks(t):
            base = ebase + t * C
            _agg_chunk(src_p, dst_p, base, base, xsrc, sidx, didx, rows,
                       acc, sem)

        plsc.subcore_barrier()
        pltpu.sync_copy(acc.at[pl.ds(sid * ZR, ZR)],
                        out.at[pl.ds(cid * N_PAD + sid * ZR, ZR)])

    return k


def _make_agg_feat_split():
    mesh = plsc.VectorSubcoreMesh(core_axis_name="c", subcore_axis_name="s")
    out_t = jax.ShapeDtypeStruct((2 * N_PAD, 128), jnp.float32)

    @functools.partial(pl.kernel, mesh=mesh, out_type=out_t,
                       scratch_types=_AGG_SCRATCH)
    def k(xcat, src2, dst_p, zrows, out, *sc):
        sidx, didx, rows, acc, sem = sc
        cid = lax.axis_index("c")
        sid = lax.axis_index("s")
        pltpu.sync_copy(zrows, acc.at[pl.ds(sid * ZR, ZR)])
        plsc.subcore_barrier()
        sbase0 = cid * E_PAD + sid * EPW16
        dbase0 = sid * EPW16

        @pl.loop(0, EPW16 // C)
        def _chunks(t):
            off = t * C
            _agg_chunk(src2, dst_p, sbase0 + off, dbase0 + off, xcat, sidx,
                       didx, rows, acc, sem)

        plsc.subcore_barrier()
        pltpu.sync_copy(acc.at[pl.ds(sid * ZR, ZR)],
                        out.at[pl.ds(cid * N_PAD + sid * ZR, ZR)])

    return k


DW = 128


def _make_deg():
    mesh = plsc.VectorSubcoreMesh(core_axis_name="c", subcore_axis_name="s")
    out_t = jax.ShapeDtypeStruct((2 * N_PAD, DW), jnp.float32)
    scratch = [
        pltpu.VMEM((C,), jnp.int32),
        pltpu.VMEM((C, DW), jnp.float32),
        pltpu.VMEM_SHARED((N_PAD, DW), jnp.float32),
    ]

    @functools.partial(pl.kernel, mesh=mesh, out_type=out_t,
                       scratch_types=scratch)
    def k(dst_p, ones_h, zrows, out, *sc):
        didx, onesv, acc = sc
        cid = lax.axis_index("c")
        sid = lax.axis_index("s")
        pltpu.sync_copy(zrows, acc.at[pl.ds(sid * ZR, ZR)])
        pltpu.sync_copy(ones_h, onesv)
        plsc.subcore_barrier()
        ebase = (cid * 16 + sid) * EPW32

        @pl.loop(0, EPW32 // C)
        def _chunks(t):
            base = ebase + t * C
            pltpu.sync_copy(dst_p.at[pl.ds(base, C)], didx)
            pltpu.sync_copy(onesv, acc.at[didx], add=True)

        plsc.subcore_barrier()
        pltpu.sync_copy(acc.at[pl.ds(sid * ZR, ZR)],
                        out.at[pl.ds(cid * N_PAD + sid * ZR, ZR)])

    return k


_DEG = _make_deg()
_AGG_ES = _make_agg_edge_split()
_AGG_FS = _make_agg_feat_split()


def _tc_layer(x, a0, a1, d0, d1, Ws, Wn0, Wn1, b, feat_split, Wx=None):
    K = x.shape[1]
    M = Ws.shape[1]
    fc = a0.shape[1]
    has_x = Wx is not None

    def body(x_r, a0_r, a1_r, d0_r, d1_r, ws_r, wn0_r, wn1_r, b_r, *rest):
        if has_x:
            wx_r, h_r, hx_r = rest
        else:
            (h_r,) = rest
        deg = d0_r[:, 0:1] + d1_r[:, 0:1]
        inv = 1.0 / jnp.maximum(deg, 1.0)
        acc = jnp.dot(x_r[...], ws_r[...], preferred_element_type=jnp.float32)
        if feat_split:
            acc += jnp.dot(a0_r[...] * inv, wn0_r[...],
                           preferred_element_type=jnp.float32)
            acc += jnp.dot(a1_r[...] * inv, wn1_r[...],
                           preferred_element_type=jnp.float32)
        else:
            acc += jnp.dot((a0_r[...] + a1_r[...]) * inv, wn0_r[...],
                           preferred_element_type=jnp.float32)
        h = jnp.maximum(acc + b_r[...], 0.0)
        h_r[...] = h
        if has_x:
            hx_r[...] = jnp.dot(h, wx_r[...],
                                preferred_element_type=jnp.float32)

    row = lambda i: (i, 0)
    rep = lambda i: (0, 0)
    in_specs = [
        pl.BlockSpec((RT, K), row),
        pl.BlockSpec((RT, fc), row),
        pl.BlockSpec((RT, fc), row),
        pl.BlockSpec((RT, DW), row),
        pl.BlockSpec((RT, DW), row),
        pl.BlockSpec((K, M), rep),
        pl.BlockSpec((fc, M), rep),
        pl.BlockSpec((fc, M), rep),
        pl.BlockSpec((1, M), rep),
    ]
    out_shape = [jax.ShapeDtypeStruct((N, M), jnp.float32)]
    out_specs = [pl.BlockSpec((RT, M), row)]
    args = [x, a0, a1, d0, d1, Ws, Wn0, Wn1, b]
    if has_x:
        MX = Wx.shape[1]
        in_specs.append(pl.BlockSpec((M, MX), rep))
        out_shape.append(jax.ShapeDtypeStruct((N, MX), jnp.float32))
        out_specs.append(pl.BlockSpec((RT, MX), row))
        args.append(Wx)
    res = pl.pallas_call(
        body, grid=(N // RT,), in_specs=in_specs, out_specs=out_specs,
        out_shape=out_shape)(*args)
    return res if has_x else res[0]


def _tc_final(h, a0, a1, d0, d1, Ws, b):
    K = h.shape[1]
    M = Ws.shape[1]

    def body(h_r, a0_r, a1_r, d0_r, d1_r, ws_r, b_r, o_r):
        deg = d0_r[:, 0:1] + d1_r[:, 0:1]
        inv = 1.0 / jnp.maximum(deg, 1.0)
        acc = jnp.dot(h_r[...], ws_r[...], preferred_element_type=jnp.float32)
        o_r[...] = acc + (a0_r[...] + a1_r[...]) * inv + b_r[...]

    row = lambda i: (i, 0)
    rep = lambda i: (0, 0)
    return pl.pallas_call(
        body, grid=(N // RT,),
        in_specs=[
            pl.BlockSpec((RT, K), row),
            pl.BlockSpec((RT, M), row),
            pl.BlockSpec((RT, M), row),
            pl.BlockSpec((RT, DW), row),
            pl.BlockSpec((RT, DW), row),
            pl.BlockSpec((K, M), rep),
            pl.BlockSpec((1, M), rep),
        ],
        out_specs=pl.BlockSpec((RT, M), row),
        out_shape=jax.ShapeDtypeStruct((N, M), jnp.float32),
    )(h, a0, a1, d0, d1, Ws, b)


def kernel(x, edge_index, Ws1, Wn1, b1, Ws2, Wn2, b2, Ws3, Wn3, b3):
    src = edge_index[0].astype(jnp.int32)
    dst = edge_index[1].astype(jnp.int32)
    src_p = jnp.concatenate([src, jnp.zeros((PAD,), jnp.int32)])
    pad_dst = N + jnp.arange(PAD, dtype=jnp.int32) % (N_PAD - N)
    dst_p = jnp.concatenate([dst, pad_dst])
    src2 = jnp.concatenate([src_p, src_p + N])
    ones8 = jnp.ones((C, DW), jnp.float32)
    z8 = jnp.zeros((ZR, DW), jnp.float32)
    z128 = jnp.zeros((ZR, 128), jnp.float32)

    d = _DEG(dst_p, ones8, z8)
    d0, d1 = d[:N_PAD], d[N_PAD:]

    a = _AGG_ES(x, src_p, dst_p, z128)
    h1 = _tc_layer(x, a[:N_PAD], a[N_PAD:], d0, d1, Ws1, Wn1, Wn1,
                   b1[None, :], feat_split=False)

    h1cat = jnp.concatenate([h1[:, :128], h1[:, 128:]], axis=0)
    a = _AGG_FS(h1cat, src2, dst_p, z128)
    h2, xn3 = _tc_layer(h1, a[:N_PAD], a[N_PAD:], d0, d1, Ws2, Wn2[:128],
                        Wn2[128:], b2[None, :], feat_split=True, Wx=Wn3)

    a = _AGG_ES(xn3, src_p, dst_p, z128)
    return _tc_final(h2, a[:N_PAD], a[N_PAD:], d0, d1, Ws3, b3[None, :])

# --- scband reference (transcript-rebuilt; emitter-appended) ---
"""Pipeline reference for scband-graph-sage-34832184771166 (READ-ONLY COPY).

The authoritative reference and input builder live on the scoring server;
editing this copy changes nothing except your own understanding.
"""

import jax, jax.numpy as jnp
import numpy as np

N_NODES = 10000
N_EDGES = 320000
IN_SIZE = 128
HIDDEN = 256
OUT_SIZE = 128


def _glorot(key, shape):
    fan_in, fan_out = shape
    lim = np.sqrt(6.0 / (fan_in + fan_out))
    return jax.random.uniform(key, shape, minval=-lim, maxval=lim, dtype=jnp.float32)


def setup_inputs(seed: int = 0) -> dict:
    key = jax.random.key(seed)
    ks = jax.random.split(key, 12)
    x = jax.random.normal(ks[0], (N_NODES, IN_SIZE), dtype=jnp.float32)
    edge_index = jax.random.randint(ks[1], (2, N_EDGES), 0, N_NODES, dtype=jnp.int64)
    # Layer 1: in -> hidden
    Ws1 = _glorot(ks[2], (IN_SIZE, HIDDEN))
    Wn1 = _glorot(ks[3], (IN_SIZE, HIDDEN))
    b1 = jnp.zeros((HIDDEN,), dtype=jnp.float32)
    # Layer 2: hidden -> hidden
    Ws2 = _glorot(ks[4], (HIDDEN, HIDDEN))
    Wn2 = _glorot(ks[5], (HIDDEN, HIDDEN))
    b2 = jnp.zeros((HIDDEN,), dtype=jnp.float32)
    # Layer 3: hidden -> out
    Ws3 = _glorot(ks[6], (HIDDEN, OUT_SIZE))
    Wn3 = _glorot(ks[7], (HIDDEN, OUT_SIZE))
    b3 = jnp.zeros((OUT_SIZE,), dtype=jnp.float32)
    return {
        "x": x, "edge_index": edge_index,
        "Ws1": Ws1, "Wn1": Wn1, "b1": b1,
        "Ws2": Ws2, "Wn2": Wn2, "b2": b2,
        "Ws3": Ws3, "Wn3": Wn3, "b3": b3,
    }


def _sage_conv(x, edge_index, W_self, W_neigh, b):
    # SAGEConv with mean aggregation: h_i = x_i @ W_self + mean_{j in N(i)} x_j @ W_neigh + b
    src = edge_index[0]
    dst = edge_index[1]
    msgs = jnp.take(x, src, axis=0)                      # gather over edges
    agg = jax.ops.segment_sum(msgs, dst, num_segments=x.shape[0])  # scatter-add
    deg = jax.ops.segment_sum(jnp.ones((edge_index.shape[1],), dtype=x.dtype), dst,
                              num_segments=x.shape[0])
    mean = agg / jnp.clip(deg, 1.0)[:, None]
    return x @ W_self + mean @ W_neigh + b


def reference(x, edge_index, Ws1, Wn1, b1, Ws2, Wn2, b2, Ws3, Wn3, b3):
    h = _sage_conv(x, edge_index, Ws1, Wn1, b1)
    h = jax.nn.relu(h)
    h = _sage_conv(h, edge_index, Ws2, Wn2, b2)
    h = jax.nn.relu(h)
    h = _sage_conv(h, edge_index, Ws3, Wn3, b3)
    return h

if __name__ == "__main__":
    import jax
    _d = setup_inputs()
    print(jax.jit(kernel)(*tuple(_d.values())))

</pallas_src>

<mosaic_0001>
#map = affine_map<(d0, d1) -> (0, 0)>
#map1 = affine_map<(d0, d1) -> (0)>
module attributes {stable_mosaic.version = 14 : i64} {
  func.func @k(%arg0: i32, %arg1: i32, %arg2: memref<10000x128xf32, #tpu.memory_space<hbm>>, %arg3: memref<327680xi32, #tpu.memory_space<hbm>>, %arg4: memref<327680xi32, #tpu.memory_space<hbm>>, %arg5: memref<640x128xf32, #tpu.memory_space<hbm>>, %arg6: memref<20480x128xf32, #tpu.memory_space<hbm>>, %arg7: memref<128xi32, #tpu.memory_space<vmem>>, %arg8: memref<128xi32, #tpu.memory_space<vmem>>, %arg9: memref<128x128xf32, #tpu.memory_space<vmem>>, %arg10: memref<10240x128xf32, #tpu.memory_space<vmem_shared>>, %arg11: memref<!tpu.dma_semaphore, #tpu.memory_space<semaphore_mem>>) attributes {dimension_semantics = [#tpu.dimension_semantics<core_parallel>, #tpu.dimension_semantics<subcore_parallel>], iteration_bounds = array<i64: 2, 16>, scalar_prefetch = 0 : i64, scratch_operands = 5 : i64, tpu.core_type = #tpu.core_type<sc_vector_subcore>, window_params = [{transform_indices = #map}, {transform_indices = #map1}, {transform_indices = #map1}, {transform_indices = #map}, {transform_indices = #map}]} {
    %mul3A = arith.constant 640 : i32
    %mul3A_0 = arith.muli %arg1, %mul3A : i32
    "tpu.region"() ({
      %run_scoped3A = tpu.sem_alloc : memref<!tpu.dma_semaphore, #tpu.memory_space<semaphore_mem>>
      %dma_start3A = arith.constant 0 : i32
      %dma_start3A_17 = tpu.memref_slice %arg10[%mul3A_0, %dma_start3A] : memref<10240x128xf32, #tpu.memory_space<vmem_shared>> -> memref<640x128xf32, #tpu.memory_space<vmem_shared>>
      tpu.enqueue_dma source(%arg5 : memref<640x128xf32, #tpu.memory_space<hbm>>) target(%dma_start3A_17 : memref<640x128xf32, #tpu.memory_space<vmem_shared>>) target_semaphore(%run_scoped3A : memref<!tpu.dma_semaphore, #tpu.memory_space<semaphore_mem>>)
      %dma_wait3A = arith.constant 0 : i32
      %dma_wait3A_18 = tpu.memref_slice %arg10[%mul3A_0, %dma_wait3A] : memref<10240x128xf32, #tpu.memory_space<vmem_shared>> -> memref<640x128xf32, #tpu.memory_space<vmem_shared>>
      tpu.wait_dma2 semaphore(%run_scoped3A : memref<!tpu.dma_semaphore, #tpu.memory_space<semaphore_mem>>) src(%arg5 : memref<640x128xf32, #tpu.memory_space<hbm>>) dst(%dma_wait3A_18 : memref<640x128xf32, #tpu.memory_space<vmem_shared>>)
      tpu.yield
    }) : () -> ()
    %barrier3A = arith.constant 0 : index
    tpu.barrier barrier_id(%barrier3A)
    %mul3A_1 = arith.constant 16 : i32
    %mul3A_2 = arith.muli %arg0, %mul3A_1 : i32
    %add3A = arith.addi %mul3A_2, %arg1 : i32
    %mul3A_3 = arith.constant 10240 : i32
    %mul3A_4 = arith.muli %add3A, %mul3A_3 : i32
    %scan3A = arith.constant 0 : i32
    %scan3A_5 = arith.constant 80 : i32
    %scan3A_6 = arith.addi %scan3A, %scan3A_5 : i32
    %scan3A_7 = arith.constant 1 : i32
    scf.for %scan3A_17 = %scan3A to %scan3A_6 step %scan3A_7  : i32 {
      %mul3A_18 = arith.constant 1 : i32
      %mul3A_19 = arith.muli %scan3A_17, %mul3A_18 : i32
      %add3A_20 = arith.constant 0 : i32
      %add3A_21 = arith.addi %add3A_20, %mul3A_19 : i32
      %mul3A_22 = arith.constant 128 : i32
      %mul3A_23 = arith.muli %add3A_21, %mul3A_22 : i32
      %add3A_24 = arith.addi %mul3A_4, %mul3A_23 : i32
      "tpu.region"() ({
        %run_scoped3A = tpu.sem_alloc : memref<!tpu.dma_semaphore, #tpu.memory_space<semaphore_mem>>
        %dma_start3A_29 = tpu.memref_slice %arg3[%add3A_24] : memref<327680xi32, #tpu.memory_space<hbm>> -> memref<128xi32, #tpu.memory_space<hbm>>
        %dma_start3A_30 = tpu.memref_slice %arg3[%add3A_24] : memref<327680xi32, #tpu.memory_space<hbm>> -> memref<128xi32, #tpu.memory_space<hbm>>
        tpu.enqueue_dma source(%dma_start3A_30 : memref<128xi32, #tpu.memory_space<hbm>>) target(%arg7 : memref<128xi32, #tpu.memory_space<vmem>>) target_semaphore(%run_scoped3A : memref<!tpu.dma_semaphore, #tpu.memory_space<semaphore_mem>>)
        %dma_wait3A_31 = tpu.memref_slice %arg3[%add3A_24] : memref<327680xi32, #tpu.memory_space<hbm>> -> memref<128xi32, #tpu.memory_space<hbm>>
        %dma_wait3A_32 = tpu.memref_slice %arg3[%add3A_24] : memref<327680xi32, #tpu.memory_space<hbm>> -> memref<128xi32, #tpu.memory_space<hbm>>
        tpu.wait_dma2 semaphore(%run_scoped3A : memref<!tpu.dma_semaphore, #tpu.memory_space<semaphore_mem>>) src(%dma_wait3A_32 : memref<128xi32, #tpu.memory_space<hbm>>) dst(%arg7 : memref<128xi32, #tpu.memory_space<vmem>>)
        tpu.yield
      }) : () -> ()
      "tpu.region"() ({
        %run_scoped3A = tpu.sem_alloc : memref<!tpu.dma_semaphore, #tpu.memory_space<semaphore_mem>>
        %dma_start3A_29 = tpu.memref_slice %arg4[%add3A_24] : memref<327680xi32, #tpu.memory_space<hbm>> -> memref<128xi32, #tpu.memory_space<hbm>>
        %dma_start3A_30 = tpu.memref_slice %arg4[%add3A_24] : memref<327680xi32, #tpu.memory_space<hbm>> -> memref<128xi32, #tpu.memory_space<hbm>>
        tpu.enqueue_dma source(%dma_start3A_30 : memref<128xi32, #tpu.memory_space<hbm>>) target(%arg8 : memref<128xi32, #tpu.memory_space<vmem>>) target_semaphore(%run_scoped3A : memref<!tpu.dma_semaphore, #tpu.memory_space<semaphore_mem>>)
        %dma_wait3A_31 = tpu.memref_slice %arg4[%add3A_24] : memref<327680xi32, #tpu.memory_space<hbm>> -> memref<128xi32, #tpu.memory_space<hbm>>
        %dma_wait3A_32 = tpu.memref_slice %arg4[%add3A_24] : memref<327680xi32, #tpu.memory_space<hbm>> -> memref<128xi32, #tpu.memory_space<hbm>>
        tpu.wait_dma2 semaphore(%run_scoped3A : memref<!tpu.dma_semaphore, #tpu.memory_space<semaphore_mem>>) src(%dma_wait3A_32 : memref<128xi32, #tpu.memory_space<hbm>>) dst(%arg8 : memref<128xi32, #tpu.memory_space<vmem>>)
        tpu.yield
      }) : () -> ()
      %dma_start3A = arith.constant 0 : i32
      %dma_start3A_25 = arith.constant 0 : i32
      %dma_start3A_26 = tpu.memref_slice %arg2[%dma_start3A, %dma_start3A_25] : memref<10000x128xf32, #tpu.memory_space<hbm>> -> memref<10000x128xf32, #tpu.memory_space<hbm>>
      tpu.enqueue_indirect_dma source(%dma_start3A_26 : memref<10000x128xf32, #tpu.memory_space<hbm>>) target(%arg9 : memref<128x128xf32, #tpu.memory_space<vmem>>) offsets(%arg7 : memref<128xi32, #tpu.memory_space<vmem>>) semaphore(%arg11 : memref<!tpu.dma_semaphore, #tpu.memory_space<semaphore_mem>>)
      %dma_wait3A = arith.constant 0 : i32
      %dma_wait3A_27 = arith.constant 0 : i32
      %dma_wait3A_28 = tpu.memref_slice %arg2[%dma_wait3A, %dma_wait3A_27] : memref<10000x128xf32, #tpu.memory_space<hbm>> -> memref<10000x128xf32, #tpu.memory_space<hbm>>
      tpu.wait_indirect_dma semaphore(%arg11 : memref<!tpu.dma_semaphore, #tpu.memory_space<semaphore_mem>>) src(%dma_wait3A_28 : memref<10000x128xf32, #tpu.memory_space<hbm>>) dst(%arg9 : memref<128x128xf32, #tpu.memory_space<vmem>>)
      "tpu.region"() ({
        %run_scoped3A = tpu.sem_alloc : memref<!tpu.dma_semaphore, #tpu.memory_space<semaphore_mem>>
        %dma_start3A_29 = arith.constant 0 : i32
        %dma_start3A_30 = arith.constant 0 : i32
        %dma_start3A_31 = tpu.memref_slice %arg10[%dma_start3A_29, %dma_start3A_30] : memref<10240x128xf32, #tpu.memory_space<vmem_shared>> -> memref<10240x128xf32, #tpu.memory_space<vmem_shared>>
        tpu.enqueue_indirect_dma source(%arg9 : memref<128x128xf32, #tpu.memory_space<vmem>>) target(%dma_start3A_31 : memref<10240x128xf32, #tpu.memory_space<vmem_shared>>) offsets(%arg8 : memref<128xi32, #tpu.memory_space<vmem>>) semaphore(%run_scoped3A : memref<!tpu.dma_semaphore, #tpu.memory_space<semaphore_mem>>) {add = true}
        %dma_wait3A_32 = arith.constant 0 : i32
        %dma_wait3A_33 = arith.constant 0 : i32
        %dma_wait3A_34 = tpu.memref_slice %arg10[%dma_wait3A_32, %dma_wait3A_33] : memref<10240x128xf32, #tpu.memory_space<vmem_shared>> -> memref<10240x128xf32, #tpu.memory_space<vmem_shared>>
        tpu.wait_indirect_dma semaphore(%run_scoped3A : memref<!tpu.dma_semaphore, #tpu.memory_space<semaphore_mem>>) src(%arg9 : memref<128x128xf32, #tpu.memory_space<vmem>>) dst(%dma_wait3A_34 : memref<10240x128xf32, #tpu.memory_space<vmem_shared>>)
        tpu.yield
      }) : () -> ()
    }
    %scan3A_8 = arith.constant 80 : i32
    %barrier3A_9 = arith.constant 0 : index
    tpu.barrier barrier_id(%barrier3A_9)
    %mul3A_10 = arith.constant 640 : i32
    %mul3A_11 = arith.muli %arg1, %mul3A_10 : i32
    %mul3A_12 = arith.constant 10240 : i32
    %mul3A_13 = arith.muli %arg0, %mul3A_12 : i32
    %mul3A_14 = arith.constant 640 : i32
    %mul3A_15 = arith.muli %arg1, %mul3A_14 : i32
    %add3A_16 = arith.addi %mul3A_13, %mul3A_15 : i32
    "tpu.region"() ({
      %run_scoped3A = tpu.sem_alloc : memref<!tpu.dma_semaphore, #tpu.memory_space<semaphore_mem>>
      %dma_start3A = arith.constant 0 : i32
      %dma_start3A_17 = tpu.memref_slice %arg6[%add3A_16, %dma_start3A] : memref<20480x128xf32, #tpu.memory_space<hbm>> -> memref<640x128xf32, #tpu.memory_space<hbm>>
      %dma_start3A_18 = arith.constant 0 : i32
      %dma_start3A_19 = tpu.memref_slice %arg10[%mul3A_11, %dma_start3A_18] : memref<10240x128xf32, #tpu.memory_space<vmem_shared>> -> memref<640x128xf32, #tpu.memory_space<vmem_shared>>
      tpu.enqueue_dma source(%dma_start3A_19 : memref<640x128xf32, #tpu.memory_space<vmem_shared>>) target(%dma_start3A_17 : memref<640x128xf32, #tpu.memory_space<hbm>>) target_semaphore(%run_scoped3A : memref<!tpu.dma_semaphore, #tpu.memory_space<semaphore_mem>>)
      %dma_wait3A = arith.constant 0 : i32
      %dma_wait3A_20 = tpu.memref_slice %arg6[%add3A_16, %dma_wait3A] : memref<20480x128xf32, #tpu.memory_space<hbm>> -> memref<640x128xf32, #tpu.memory_space<hbm>>
      %dma_wait3A_21 = arith.constant 0 : i32
      %dma_wait3A_22 = tpu.memref_slice %arg10[%mul3A_11, %dma_wait3A_21] : memref<10240x128xf32, #tpu.memory_space<vmem_shared>> -> memref<640x128xf32, #tpu.memory_space<vmem_shared>>
      tpu.wait_dma2 semaphore(%run_scoped3A : memref<!tpu.dma_semaphore, #tpu.memory_space<semaphore_mem>>) src(%dma_wait3A_22 : memref<640x128xf32, #tpu.memory_space<vmem_shared>>) dst(%dma_wait3A_20 : memref<640x128xf32, #tpu.memory_space<hbm>>)
      tpu.yield
    }) : () -> ()
    return
  }
}

#map = affine_map<(d0, d1) -> (0, 0)>
#map1 = affine_map<(d0, d1) -> (0)>
module attributes {stable_mosaic.version = 14 : i64} {
  func.func @k(%arg0: i32, %arg1: i32, %arg2: memref<10000x128xf32, #tpu.memory_space<hbm>>, %arg3: memref<327680xi32, #tpu.memory_space<hbm>>, %arg4: memref<327680xi32, #tpu.memory_space<hbm>>, %arg5: memref<640x128xf32, #tpu.memory_space<hbm>>, %arg6: memref<20480x128xf32, #tpu.memory_space<hbm>>, %arg7: memref<128xi32, #tpu.memory_space<vmem>>, %arg8: memref<128xi32, #tpu.memory_space<vmem>>, %arg9: memref<128x128xf32, #tpu.memory_space<vmem>>, %arg10: memref<10240x128xf32, #tpu.memory_space<vmem_shared>>, %arg11: memref<!tpu.dma_semaphore, #tpu.memory_space<semaphore_mem>>) attributes {dimension_semantics = [#tpu.dimension_semantics<core_parallel>, #tpu.dimension_semantics<subcore_parallel>], iteration_bounds = array<i64: 2, 16>, scalar_prefetch = 0 : i64, scratch_operands = 5 : i64, tpu.core_type = #tpu.core_type<sc_vector_subcore>, window_params = [{transform_indices = #map}, {transform_indices = #map1}, {transform_indices = #map1}, {transform_indices = #map}, {transform_indices = #map}]} {
    %mul3A = arith.constant 640 : i32
    %mul3A_0 = arith.muli %arg1, %mul3A : i32
    "tpu.region"() ({
      %run_scoped3A = tpu.sem_alloc : memref<!tpu.dma_semaphore, #tpu.memory_space<semaphore_mem>>
      %dma_start3A = arith.constant 0 : i32
      %dma_start3A_17 = tpu.memref_slice %arg10[%mul3A_0, %dma_start3A] : memref<10240x128xf32, #tpu.memory_space<vmem_shared>> -> memref<640x128xf32, #tpu.memory_space<vmem_shared>>
      tpu.enqueue_dma source(%arg5 : memref<640x128xf32, #tpu.memory_space<hbm>>) target(%dma_start3A_17 : memref<640x128xf32, #tpu.memory_space<vmem_shared>>) target_semaphore(%run_scoped3A : memref<!tpu.dma_semaphore, #tpu.memory_space<semaphore_mem>>)
      %dma_wait3A = arith.constant 0 : i32
      %dma_wait3A_18 = tpu.memref_slice %arg10[%mul3A_0, %dma_wait3A] : memref<10240x128xf32, #tpu.memory_space<vmem_shared>> -> memref<640x128xf32, #tpu.memory_space<vmem_shared>>
      tpu.wait_dma2 semaphore(%run_scoped3A : memref<!tpu.dma_semaphore, #tpu.memory_space<semaphore_mem>>) src(%arg5 : memref<640x128xf32, #tpu.memory_space<hbm>>) dst(%dma_wait3A_18 : memref<640x128xf32, #tpu.memory_space<vmem_shared>>)
      tpu.yield
    }) : () -> ()
    %barrier3A = arith.constant 0 : index
    tpu.barrier barrier_id(%barrier3A)
    %mul3A_1 = arith.constant 16 : i32
    %mul3A_2 = arith.muli %arg0, %mul3A_1 : i32
    %add3A = arith.addi %mul3A_2, %arg1 : i32
    %mul3A_3 = arith.constant 10240 : i32
    %mul3A_4 = arith.muli %add3A, %mul3A_3 : i32
    %scan3A = arith.constant 0 : i32
    %scan3A_5 = arith.constant 80 : i32
    %scan3A_6 = arith.addi %scan3A, %scan3A_5 : i32
    %scan3A_7 = arith.constant 1 : i32
    scf.for %scan3A_17 = %scan3A to %scan3A_6 step %scan3A_7  : i32 {
      %mul3A_18 = arith.constant 1 : i32
      %mul3A_19 = arith.muli %scan3A_17, %mul3A_18 : i32
      %add3A_20 = arith.constant 0 : i32
      %add3A_21 = arith.addi %add3A_20, %mul3A_19 : i32
      %mul3A_22 = arith.constant 128 : i32
      %mul3A_23 = arith.muli %add3A_21, %mul3A_22 : i32
      %add3A_24 = arith.addi %mul3A_4, %mul3A_23 : i32
      "tpu.region"() ({
        %run_scoped3A = tpu.sem_alloc : memref<!tpu.dma_semaphore, #tpu.memory_space<semaphore_mem>>
        %dma_start3A_29 = tpu.memref_slice %arg3[%add3A_24] : memref<327680xi32, #tpu.memory_space<hbm>> -> memref<128xi32, #tpu.memory_space<hbm>>
        %dma_start3A_30 = tpu.memref_slice %arg3[%add3A_24] : memref<327680xi32, #tpu.memory_space<hbm>> -> memref<128xi32, #tpu.memory_space<hbm>>
        tpu.enqueue_dma source(%dma_start3A_30 : memref<128xi32, #tpu.memory_space<hbm>>) target(%arg7 : memref<128xi32, #tpu.memory_space<vmem>>) target_semaphore(%run_scoped3A : memref<!tpu.dma_semaphore, #tpu.memory_space<semaphore_mem>>)
        %dma_wait3A_31 = tpu.memref_slice %arg3[%add3A_24] : memref<327680xi32, #tpu.memory_space<hbm>> -> memref<128xi32, #tpu.memory_space<hbm>>
        %dma_wait3A_32 = tpu.memref_slice %arg3[%add3A_24] : memref<327680xi32, #tpu.memory_space<hbm>> -> memref<128xi32, #tpu.memory_space<hbm>>
        tpu.wait_dma2 semaphore(%run_scoped3A : memref<!tpu.dma_semaphore, #tpu.memory_space<semaphore_mem>>) src(%dma_wait3A_32 : memref<128xi32, #tpu.memory_space<hbm>>) dst(%arg7 : memref<128xi32, #tpu.memory_space<vmem>>)
        tpu.yield
      }) : () -> ()
      "tpu.region"() ({
        %run_scoped3A = tpu.sem_alloc : memref<!tpu.dma_semaphore, #tpu.memory_space<semaphore_mem>>
        %dma_start3A_29 = tpu.memref_slice %arg4[%add3A_24] : memref<327680xi32, #tpu.memory_space<hbm>> -> memref<128xi32, #tpu.memory_space<hbm>>
        %dma_start3A_30 = tpu.memref_slice %arg4[%add3A_24] : memref<327680xi32, #tpu.memory_space<hbm>> -> memref<128xi32, #tpu.memory_space<hbm>>
        tpu.enqueue_dma source(%dma_start3A_30 : memref<128xi32, #tpu.memory_space<hbm>>) target(%arg8 : memref<128xi32, #tpu.memory_space<vmem>>) target_semaphore(%run_scoped3A : memref<!tpu.dma_semaphore, #tpu.memory_space<semaphore_mem>>)
        %dma_wait3A_31 = tpu.memref_slice %arg4[%add3A_24] : memref<327680xi32, #tpu.memory_space<hbm>> -> memref<128xi32, #tpu.memory_space<hbm>>
        %dma_wait3A_32 = tpu.memref_slice %arg4[%add3A_24] : memref<327680xi32, #tpu.memory_space<hbm>> -> memref<128xi32, #tpu.memory_space<hbm>>
        tpu.wait_dma2 semaphore(%run_scoped3A : memref<!tpu.dma_semaphore, #tpu.memory_space<semaphore_mem>>) src(%dma_wait3A_32 : memref<128xi32, #tpu.memory_space<hbm>>) dst(%arg8 : memref<128xi32, #tpu.memory_space<vmem>>)
        tpu.yield
      }) : () -> ()
      %dma_start3A = arith.constant 0 : i32
      %dma_start3A_25 = arith.constant 0 : i32
      %dma_start3A_26 = tpu.memref_slice %arg2[%dma_start3A, %dma_start3A_25] : memref<10000x128xf32, #tpu.memory_space<hbm>> -> memref<10000x128xf32, #tpu.memory_space<hbm>>
      tpu.enqueue_indirect_dma source(%dma_start3A_26 : memref<10000x128xf32, #tpu.memory_space<hbm>>) target(%arg9 : memref<128x128xf32, #tpu.memory_space<vmem>>) offsets(%arg7 : memref<128xi32, #tpu.memory_space<vmem>>) semaphore(%arg11 : memref<!tpu.dma_semaphore, #tpu.memory_space<semaphore_mem>>)
      %dma_wait3A = arith.constant 0 : i32
      %dma_wait3A_27 = arith.constant 0 : i32
      %dma_wait3A_28 = tpu.memref_slice %arg2[%dma_wait3A, %dma_wait3A_27] : memref<10000x128xf32, #tpu.memory_space<hbm>> -> memref<10000x128xf32, #tpu.memory_space<hbm>>
      tpu.wait_indirect_dma semaphore(%arg11 : memref<!tpu.dma_semaphore, #tpu.memory_space<semaphore_mem>>) src(%dma_wait3A_28 : memref<10000x128xf32, #tpu.memory_space<hbm>>) dst(%arg9 : memref<128x128xf32, #tpu.memory_space<vmem>>)
      "tpu.region"() ({
        %run_scoped3A = tpu.sem_alloc : memref<!tpu.dma_semaphore, #tpu.memory_space<semaphore_mem>>
        %dma_start3A_29 = arith.constant 0 : i32
        %dma_start3A_30 = arith.constant 0 : i32
        %dma_start3A_31 = tpu.memref_slice %arg10[%dma_start3A_29, %dma_start3A_30] : memref<10240x128xf32, #tpu.memory_space<vmem_shared>> -> memref<10240x128xf32, #tpu.memory_space<vmem_shared>>
        tpu.enqueue_indirect_dma source(%arg9 : memref<128x128xf32, #tpu.memory_space<vmem>>) target(%dma_start3A_31 : memref<10240x128xf32, #tpu.memory_space<vmem_shared>>) offsets(%arg8 : memref<128xi32, #tpu.memory_space<vmem>>) semaphore(%run_scoped3A : memref<!tpu.dma_semaphore, #tpu.memory_space<semaphore_mem>>) {add = true}
        %dma_wait3A_32 = arith.constant 0 : i32
        %dma_wait3A_33 = arith.constant 0 : i32
        %dma_wait3A_34 = tpu.memref_slice %arg10[%dma_wait3A_32, %dma_wait3A_33] : memref<10240x128xf32, #tpu.memory_space<vmem_shared>> -> memref<10240x128xf32, #tpu.memory_space<vmem_shared>>
        tpu.wait_indirect_dma semaphore(%run_scoped3A : memref<!tpu.dma_semaphore, #tpu.memory_space<semaphore_mem>>) src(%arg9 : memref<128x128xf32, #tpu.memory_space<vmem>>) dst(%dma_wait3A_34 : memref<10240x128xf32, #tpu.memory_space<vmem_shared>>)
        tpu.yield
      }) : () -> ()
    }
    %scan3A_8 = arith.constant 80 : i32
    %barrier3A_9 = arith.constant 0 : index
    tpu.barrier barrier_id(%barrier3A_9)
    %mul3A_10 = arith.constant 640 : i32
    %mul3A_11 = arith.muli %arg1, %mul3A_10 : i32
    %mul3A_12 = arith.constant 10240 : i32
    %mul3A_13 = arith.muli %arg0, %mul3A_12 : i32
    %mul3A_14 = arith.constant 640 : i32
    %mul3A_15 = arith.muli %arg1, %mul3A_14 : i32
    %add3A_16 = arith.addi %mul3A_13, %mul3A_15 : i32
    "tpu.region"() ({
      %run_scoped3A = tpu.sem_alloc : memref<!tpu.dma_semaphore, #tpu.memory_space<semaphore_mem>>
      %dma_start3A = arith.constant 0 : i32
      %dma_start3A_17 = tpu.memref_slice %arg6[%add3A_16, %dma_start3A] : memref<20480x128xf32, #tpu.memory_space<hbm>> -> memref<640x128xf32, #tpu.memory_space<hbm>>
      %dma_start3A_18 = arith.constant 0 : i32
      %dma_start3A_19 = tpu.memref_slice %arg10[%mul3A_11, %dma_start3A_18] : memref<10240x128xf32, #tpu.memory_space<vmem_shared>> -> memref<640x128xf32, #tpu.memory_space<vmem_shared>>
      tpu.enqueue_dma source(%dma_start3A_19 : memref<640x128xf32, #tpu.memory_space<vmem_shared>>) target(%dma_start3A_17 : memref<640x128xf32, #tpu.memory_space<hbm>>) target_semaphore(%run_scoped3A : memref<!tpu.dma_semaphore, #tpu.memory_space<semaphore_mem>>)
      %dma_wait3A = arith.constant 0 : i32
      %dma_wait3A_20 = tpu.memref_slice %arg6[%add3A_16, %dma_wait3A] : memref<20480x128xf32, #tpu.memory_space<hbm>> -> memref<640x128xf32, #tpu.memory_space<hbm>>
      %dma_wait3A_21 = arith.constant 0 : i32
      %dma_wait3A_22 = tpu.memref_slice %arg10[%mul3A_11, %dma_wait3A_21] : memref<10240x128xf32, #tpu.memory_space<vmem_shared>> -> memref<640x128xf32, #tpu.memory_space<vmem_shared>>
      tpu.wait_dma2 semaphore(%run_scoped3A : memref<!tpu.dma_semaphore, #tpu.memory_space<semaphore_mem>>) src(%dma_wait3A_22 : memref<640x128xf32, #tpu.memory_space<vmem_shared>>) dst(%dma_wait3A_20 : memref<640x128xf32, #tpu.memory_space<hbm>>)
      tpu.yield
    }) : () -> ()
    return
  }
}

#map = affine_map<(d0, d1) -> (0)>
#map1 = affine_map<(d0, d1) -> (0, 0)>
module attributes {stable_mosaic.version = 14 : i64} {
  func.func @k(%arg0: i32, %arg1: i32, %arg2: memref<327680xi32, #tpu.memory_space<hbm>>, %arg3: memref<128x128xf32, #tpu.memory_space<hbm>>, %arg4: memref<640x128xf32, #tpu.memory_space<hbm>>, %arg5: memref<20480x128xf32, #tpu.memory_space<hbm>>, %arg6: memref<128xi32, #tpu.memory_space<vmem>>, %arg7: memref<128x128xf32, #tpu.memory_space<vmem>>, %arg8: memref<10240x128xf32, #tpu.memory_space<vmem_shared>>) attributes {dimension_semantics = [#tpu.dimension_semantics<core_parallel>, #tpu.dimension_semantics<subcore_parallel>], iteration_bounds = array<i64: 2, 16>, scalar_prefetch = 0 : i64, scratch_operands = 3 : i64, tpu.core_type = #tpu.core_type<sc_vector_subcore>, window_params = [{transform_indices = #map}, {transform_indices = #map1}, {transform_indices = #map1}, {transform_indices = #map1}]} {
    %mul3A = arith.constant 640 : i32
    %mul3A_0 = arith.muli %arg1, %mul3A : i32
    "tpu.region"() ({
      %run_scoped3A = tpu.sem_alloc : memref<!tpu.dma_semaphore, #tpu.memory_space<semaphore_mem>>
      %dma_start3A = arith.constant 0 : i32
      %dma_start3A_17 = tpu.memref_slice %arg8[%mul3A_0, %dma_start3A] : memref<10240x128xf32, #tpu.memory_space<vmem_shared>> -> memref<640x128xf32, #tpu.memory_space<vmem_shared>>
      tpu.enqueue_dma source(%arg4 : memref<640x128xf32, #tpu.memory_space<hbm>>) target(%dma_start3A_17 : memref<640x128xf32, #tpu.memory_space<vmem_shared>>) target_semaphore(%run_scoped3A : memref<!tpu.dma_semaphore, #tpu.memory_space<semaphore_mem>>)
      %dma_wait3A = arith.constant 0 : i32
      %dma_wait3A_18 = tpu.memref_slice %arg8[%mul3A_0, %dma_wait3A] : memref<10240x128xf32, #tpu.memory_space<vmem_shared>> -> memref<640x128xf32, #tpu.memory_space<vmem_shared>>
      tpu.wait_dma2 semaphore(%run_scoped3A : memref<!tpu.dma_semaphore, #tpu.memory_space<semaphore_mem>>) src(%arg4 : memref<640x128xf32, #tpu.memory_space<hbm>>) dst(%dma_wait3A_18 : memref<640x128xf32, #tpu.memory_space<vmem_shared>>)
      tpu.yield
    }) : () -> ()
    "tpu.region"() ({
      %run_scoped3A = tpu.sem_alloc : memref<!tpu.dma_semaphore, #tpu.memory_space<semaphore_mem>>
      tpu.enqueue_dma source(%arg3 : memref<128x128xf32, #tpu.memory_space<hbm>>) target(%arg7 : memref<128x128xf32, #tpu.memory_space<vmem>>) target_semaphore(%run_scoped3A : memref<!tpu.dma_semaphore, #tpu.memory_space<semaphore_mem>>)
      tpu.wait_dma2 semaphore(%run_scoped3A : memref<!tpu.dma_semaphore, #tpu.memory_space<semaphore_mem>>) src(%arg3 : memref<128x128xf32, #tpu.memory_space<hbm>>) dst(%arg7 : memref<128x128xf32, #tpu.memory_space<vmem>>)
      tpu.yield
    }) : () -> ()
    %barrier3A = arith.constant 0 : index
    tpu.barrier barrier_id(%barrier3A)
    %mul3A_1 = arith.constant 16 : i32
    %mul3A_2 = arith.muli %arg0, %mul3A_1 : i32
    %add3A = arith.addi %mul3A_2, %arg1 : i32
    %mul3A_3 = arith.constant 10240 : i32
    %mul3A_4 = arith.muli %add3A, %mul3A_3 : i32
    %scan3A = arith.constant 0 : i32
    %scan3A_5 = arith.constant 80 : i32
    %scan3A_6 = arith.addi %scan3A, %scan3A_5 : i32
    %scan3A_7 = arith.constant 1 : i32
    scf.for %scan3A_17 = %scan3A to %scan3A_6 step %scan3A_7  : i32 {
      %mul3A_18 = arith.constant 1 : i32
      %mul3A_19 = arith.muli %scan3A_17, %mul3A_18 : i32
      %add3A_20 = arith.constant 0 : i32
      %add3A_21 = arith.addi %add3A_20, %mul3A_19 : i32
      %mul3A_22 = arith.constant 128 : i32
      %mul3A_23 = arith.muli %add3A_21, %mul3A_22 : i32
      %add3A_24 = arith.addi %mul3A_4, %mul3A_23 : i32
      "tpu.region"() ({
        %run_scoped3A = tpu.sem_alloc : memref<!tpu.dma_semaphore, #tpu.memory_space<semaphore_mem>>
        %dma_start3A = tpu.memref_slice %arg2[%add3A_24] : memref<327680xi32, #tpu.memory_space<hbm>> -> memref<128xi32, #tpu.memory_space<hbm>>
        %dma_start3A_25 = tpu.memref_slice %arg2[%add3A_24] : memref<327680xi32, #tpu.memory_space<hbm>> -> memref<128xi32, #tpu.memory_space<hbm>>
        tpu.enqueue_dma source(%dma_start3A_25 : memref<128xi32, #tpu.memory_space<hbm>>) target(%arg6 : memref<128xi32, #tpu.memory_space<vmem>>) target_semaphore(%run_scoped3A : memref<!tpu.dma_semaphore, #tpu.memory_space<semaphore_mem>>)
        %dma_wait3A = tpu.memref_slice %arg2[%add3A_24] : memref<327680xi32, #tpu.memory_space<hbm>> -> memref<128xi32, #tpu.memory_space<hbm>>
        %dma_wait3A_26 = tpu.memref_slice %arg2[%add3A_24] : memref<327680xi32, #tpu.memory_space<hbm>> -> memref<128xi32, #tpu.memory_space<hbm>>
        tpu.wait_dma2 semaphore(%run_scoped3A : memref<!tpu.dma_semaphore, #tpu.memory_space<semaphore_mem>>) src(%dma_wait3A_26 : memref<128xi32, #tpu.memory_space<hbm>>) dst(%arg6 : memref<128xi32, #tpu.memory_space<vmem>>)
        tpu.yield
      }) : () -> ()
      "tpu.region"() ({
        %run_scoped3A = tpu.sem_alloc : memref<!tpu.dma_semaphore, #tpu.memory_space<semaphore_mem>>
        %dma_start3A = arith.constant 0 : i32
        %dma_start3A_25 = arith.constant 0 : i32
        %dma_start3A_26 = tpu.memref_slice %arg8[%dma_start3A, %dma_start3A_25] : memref<10240x128xf32, #tpu.memory_space<vmem_shared>> -> memref<10240x128xf32, #tpu.memory_space<vmem_shared>>
        tpu.enqueue_indirect_dma source(%arg7 : memref<128x128xf32, #tpu.memory_space<vmem>>) target(%dma_start3A_26 : memref<10240x128xf32, #tpu.memory_space<vmem_shared>>) offsets(%arg6 : memref<128xi32, #tpu.memory_space<vmem>>) semaphore(%run_scoped3A : memref<!tpu.dma_semaphore, #tpu.memory_space<semaphore_mem>>) {add = true}
        %dma_wait3A = arith.constant 0 : i32
        %dma_wait3A_27 = arith.constant 0 : i32
        %dma_wait3A_28 = tpu.memref_slice %arg8[%dma_wait3A, %dma_wait3A_27] : memref<10240x128xf32, #tpu.memory_space<vmem_shared>> -> memref<10240x128xf32, #tpu.memory_space<vmem_shared>>
        tpu.wait_indirect_dma semaphore(%run_scoped3A : memref<!tpu.dma_semaphore, #tpu.memory_space<semaphore_mem>>) src(%arg7 : memref<128x128xf32, #tpu.memory_space<vmem>>) dst(%dma_wait3A_28 : memref<10240x128xf32, #tpu.memory_space<vmem_shared>>)
        tpu.yield
      }) : () -> ()
    }
    %scan3A_8 = arith.constant 80 : i32
    %barrier3A_9 = arith.constant 0 : index
    tpu.barrier barrier_id(%barrier3A_9)
    %mul3A_10 = arith.constant 640 : i32
    %mul3A_11 = arith.muli %arg1, %mul3A_10 : i32
    %mul3A_12 = arith.constant 10240 : i32
    %mul3A_13 = arith.muli %arg0, %mul3A_12 : i32
    %mul3A_14 = arith.constant 640 : i32
    %mul3A_15 = arith.muli %arg1, %mul3A_14 : i32
    %add3A_16 = arith.addi %mul3A_13, %mul3A_15 : i32
    "tpu.region"() ({
      %run_scoped3A = tpu.sem_alloc : memref<!tpu.dma_semaphore, #tpu.memory_space<semaphore_mem>>
      %dma_start3A = arith.constant 0 : i32
      %dma_start3A_17 = tpu.memref_slice %arg5[%add3A_16, %dma_start3A] : memref<20480x128xf32, #tpu.memory_space<hbm>> -> memref<640x128xf32, #tpu.memory_space<hbm>>
      %dma_start3A_18 = arith.constant 0 : i32
      %dma_start3A_19 = tpu.memref_slice %arg8[%mul3A_11, %dma_start3A_18] : memref<10240x128xf32, #tpu.memory_space<vmem_shared>> -> memref<640x128xf32, #tpu.memory_space<vmem_shared>>
      tpu.enqueue_dma source(%dma_start3A_19 : memref<640x128xf32, #tpu.memory_space<vmem_shared>>) target(%dma_start3A_17 : memref<640x128xf32, #tpu.memory_space<hbm>>) target_semaphore(%run_scoped3A : memref<!tpu.dma_semaphore, #tpu.memory_space<semaphore_mem>>)
      %dma_wait3A = arith.constant 0 : i32
      %dma_wait3A_20 = tpu.memref_slice %arg5[%add3A_16, %dma_wait3A] : memref<20480x128xf32, #tpu.memory_space<hbm>> -> memref<640x128xf32, #tpu.memory_space<hbm>>
      %dma_wait3A_21 = arith.constant 0 : i32
      %dma_wait3A_22 = tpu.memref_slice %arg8[%mul3A_11, %dma_wait3A_21] : memref<10240x128xf32, #tpu.memory_space<vmem_shared>> -> memref<640x128xf32, #tpu.memory_space<vmem_shared>>
      tpu.wait_dma2 semaphore(%run_scoped3A : memref<!tpu.dma_semaphore, #tpu.memory_space<semaphore_mem>>) src(%dma_wait3A_22 : memref<640x128xf32, #tpu.memory_space<vmem_shared>>) dst(%dma_wait3A_20 : memref<640x128xf32, #tpu.memory_space<hbm>>)
      tpu.yield
    }) : () -> ()
    return
  }
}

#map = affine_map<(d0, d1) -> (0, 0)>
#map1 = affine_map<(d0, d1) -> (0)>
module attributes {stable_mosaic.version = 14 : i64} {
  func.func @k(%arg0: i32, %arg1: i32, %arg2: memref<20000x128xf32, #tpu.memory_space<hbm>>, %arg3: memref<655360xi32, #tpu.memory_space<hbm>>, %arg4: memref<327680xi32, #tpu.memory_space<hbm>>, %arg5: memref<640x128xf32, #tpu.memory_space<hbm>>, %arg6: memref<20480x128xf32, #tpu.memory_space<hbm>>, %arg7: memref<128xi32, #tpu.memory_space<vmem>>, %arg8: memref<128xi32, #tpu.memory_space<vmem>>, %arg9: memref<128x128xf32, #tpu.memory_space<vmem>>, %arg10: memref<10240x128xf32, #tpu.memory_space<vmem_shared>>, %arg11: memref<!tpu.dma_semaphore, #tpu.memory_space<semaphore_mem>>) attributes {dimension_semantics = [#tpu.dimension_semantics<core_parallel>, #tpu.dimension_semantics<subcore_parallel>], iteration_bounds = array<i64: 2, 16>, scalar_prefetch = 0 : i64, scratch_operands = 5 : i64, tpu.core_type = #tpu.core_type<sc_vector_subcore>, window_params = [{transform_indices = #map}, {transform_indices = #map1}, {transform_indices = #map1}, {transform_indices = #map}, {transform_indices = #map}]} {
    %mul3A = arith.constant 640 : i32
    %mul3A_0 = arith.muli %arg1, %mul3A : i32
    "tpu.region"() ({
      %run_scoped3A = tpu.sem_alloc : memref<!tpu.dma_semaphore, #tpu.memory_space<semaphore_mem>>
      %dma_start3A = arith.constant 0 : i32
      %dma_start3A_19 = tpu.memref_slice %arg10[%mul3A_0, %dma_start3A] : memref<10240x128xf32, #tpu.memory_space<vmem_shared>> -> memref<640x128xf32, #tpu.memory_space<vmem_shared>>
      tpu.enqueue_dma source(%arg5 : memref<640x128xf32, #tpu.memory_space<hbm>>) target(%dma_start3A_19 : memref<640x128xf32, #tpu.memory_space<vmem_shared>>) target_semaphore(%run_scoped3A : memref<!tpu.dma_semaphore, #tpu.memory_space<semaphore_mem>>)
      %dma_wait3A = arith.constant 0 : i32
      %dma_wait3A_20 = tpu.memref_slice %arg10[%mul3A_0, %dma_wait3A] : memref<10240x128xf32, #tpu.memory_space<vmem_shared>> -> memref<640x128xf32, #tpu.memory_space<vmem_shared>>
      tpu.wait_dma2 semaphore(%run_scoped3A : memref<!tpu.dma_semaphore, #tpu.memory_space<semaphore_mem>>) src(%arg5 : memref<640x128xf32, #tpu.memory_space<hbm>>) dst(%dma_wait3A_20 : memref<640x128xf32, #tpu.memory_space<vmem_shared>>)
      tpu.yield
    }) : () -> ()
    %barrier3A = arith.constant 0 : index
    tpu.barrier barrier_id(%barrier3A)
    %mul3A_1 = arith.constant 327680 : i32
    %mul3A_2 = arith.muli %arg0, %mul3A_1 : i32
    %mul3A_3 = arith.constant 20480 : i32
    %mul3A_4 = arith.muli %arg1, %mul3A_3 : i32
    %add3A = arith.addi %mul3A_2, %mul3A_4 : i32
    %mul3A_5 = arith.constant 20480 : i32
    %mul3A_6 = arith.muli %arg1, %mul3A_5 : i32
    %scan3A = arith.constant 0 : i32
    %scan3A_7 = arith.constant 160 : i32
    %scan3A_8 = arith.addi %scan3A, %scan3A_7 : i32
    %scan3A_9 = arith.constant 1 : i32
    scf.for %scan3A_19 = %scan3A to %scan3A_8 step %scan3A_9  : i32 {
      %mul3A_20 = arith.constant 1 : i32
      %mul3A_21 = arith.muli %scan3A_19, %mul3A_20 : i32
      %add3A_22 = arith.constant 0 : i32
      %add3A_23 = arith.addi %add3A_22, %mul3A_21 : i32
      %mul3A_24 = arith.constant 128 : i32
      %mul3A_25 = arith.muli %add3A_23, %mul3A_24 : i32
      %add3A_26 = arith.addi %add3A, %mul3A_25 : i32
      %add3A_27 = arith.addi %mul3A_6, %mul3A_25 : i32
      "tpu.region"() ({
        %run_scoped3A = tpu.sem_alloc : memref<!tpu.dma_semaphore, #tpu.memory_space<semaphore_mem>>
        %dma_start3A_32 = tpu.memref_slice %arg3[%add3A_26] : memref<655360xi32, #tpu.memory_space<hbm>> -> memref<128xi32, #tpu.memory_space<hbm>>
        %dma_start3A_33 = tpu.memref_slice %arg3[%add3A_26] : memref<655360xi32, #tpu.memory_space<hbm>> -> memref<128xi32, #tpu.memory_space<hbm>>
        tpu.enqueue_dma source(%dma_start3A_33 : memref<128xi32, #tpu.memory_space<hbm>>) target(%arg7 : memref<128xi32, #tpu.memory_space<vmem>>) target_semaphore(%run_scoped3A : memref<!tpu.dma_semaphore, #tpu.memory_space<semaphore_mem>>)
        %dma_wait3A_34 = tpu.memref_slice %arg3[%add3A_26] : memref<655360xi32, #tpu.memory_space<hbm>> -> memref<128xi32, #tpu.memory_space<hbm>>
        %dma_wait3A_35 = tpu.memref_slice %arg3[%add3A_26] : memref<655360xi32, #tpu.memory_space<hbm>> -> memref<128xi32, #tpu.memory_space<hbm>>
        tpu.wait_dma2 semaphore(%run_scoped3A : memref<!tpu.dma_semaphore, #tpu.memory_space<semaphore_mem>>) src(%dma_wait3A_35 : memref<128xi32, #tpu.memory_space<hbm>>) dst(%arg7 : memref<128xi32, #tpu.memory_space<vmem>>)
        tpu.yield
      }) : () -> ()
      "tpu.region"() ({
        %run_scoped3A = tpu.sem_alloc : memref<!tpu.dma_semaphore, #tpu.memory_space<semaphore_mem>>
        %dma_start3A_32 = tpu.memref_slice %arg4[%add3A_27] : memref<327680xi32, #tpu.memory_space<hbm>> -> memref<128xi32, #tpu.memory_space<hbm>>
        %dma_start3A_33 = tpu.memref_slice %arg4[%add3A_27] : memref<327680xi32, #tpu.memory_space<hbm>> -> memref<128xi32, #tpu.memory_space<hbm>>
        tpu.enqueue_dma source(%dma_start3A_33 : memref<128xi32, #tpu.memory_space<hbm>>) target(%arg8 : memref<128xi32, #tpu.memory_space<vmem>>) target_semaphore(%run_scoped3A : memref<!tpu.dma_semaphore, #tpu.memory_space<semaphore_mem>>)
        %dma_wait3A_34 = tpu.memref_slice %arg4[%add3A_27] : memref<327680xi32, #tpu.memory_space<hbm>> -> memref<128xi32, #tpu.memory_space<hbm>>
        %dma_wait3A_35 = tpu.memref_slice %arg4[%add3A_27] : memref<327680xi32, #tpu.memory_space<hbm>> -> memref<128xi32, #tpu.memory_space<hbm>>
        tpu.wait_dma2 semaphore(%run_scoped3A : memref<!tpu.dma_semaphore, #tpu.memory_space<semaphore_mem>>) src(%dma_wait3A_35 : memref<128xi32, #tpu.memory_space<hbm>>) dst(%arg8 : memref<128xi32, #tpu.memory_space<vmem>>)
        tpu.yield
      }) : () -> ()
      %dma_start3A = arith.constant 0 : i32
      %dma_start3A_28 = arith.constant 0 : i32
      %dma_start3A_29 = tpu.memref_slice %arg2[%dma_start3A, %dma_start3A_28] : memref<20000x128xf32, #tpu.memory_space<hbm>> -> memref<20000x128xf32, #tpu.memory_space<hbm>>
      tpu.enqueue_indirect_dma source(%dma_start3A_29 : memref<20000x128xf32, #tpu.memory_space<hbm>>) target(%arg9 : memref<128x128xf32, #tpu.memory_space<vmem>>) offsets(%arg7 : memref<128xi32, #tpu.memory_space<vmem>>) semaphore(%arg11 : memref<!tpu.dma_semaphore, #tpu.memory_space<semaphore_mem>>)
      %dma_wait3A = arith.constant 0 : i32
      %dma_wait3A_30 = arith.constant 0 : i32
      %dma_wait3A_31 = tpu.memref_slice %arg2[%dma_wait3A, %dma_wait3A_30] : memref<20000x128xf32, #tpu.memory_space<hbm>> -> memref<20000x128xf32, #tpu.memory_space<hbm>>
      tpu.wait_indirect_dma semaphore(%arg11 : memref<!tpu.dma_semaphore, #tpu.memory_space<semaphore_mem>>) src(%dma_wait3A_31 : memref<20000x128xf32, #tpu.memory_space<hbm>>) dst(%arg9 : memref<128x128xf32, #tpu.memory_space<vmem>>)
      "tpu.region"() ({
        %run_scoped3A = tpu.sem_alloc : memref<!tpu.dma_semaphore, #tpu.memory_space<semaphore_mem>>
        %dma_start3A_32 = arith.constant 0 : i32
        %dma_start3A_33 = arith.constant 0 : i32
        %dma_start3A_34 = tpu.memref_slice %arg10[%dma_start3A_32, %dma_start3A_33] : memref<10240x128xf32, #tpu.memory_space<vmem_shared>> -> memref<10240x128xf32, #tpu.memory_space<vmem_shared>>
        tpu.enqueue_indirect_dma source(%arg9 : memref<128x128xf32, #tpu.memory_space<vmem>>) target(%dma_start3A_34 : memref<10240x128xf32, #tpu.memory_space<vmem_shared>>) offsets(%arg8 : memref<128xi32, #tpu.memory_space<vmem>>) semaphore(%run_scoped3A : memref<!tpu.dma_semaphore, #tpu.memory_space<semaphore_mem>>) {add = true}
        %dma_wait3A_35 = arith.constant 0 : i32
        %dma_wait3A_36 = arith.constant 0 : i32
        %dma_wait3A_37 = tpu.memref_slice %arg10[%dma_wait3A_35, %dma_wait3A_36] : memref<10240x128xf32, #tpu.memory_space<vmem_shared>> -> memref<10240x128xf32, #tpu.memory_space<vmem_shared>>
        tpu.wait_indirect_dma semaphore(%run_scoped3A : memref<!tpu.dma_semaphore, #tpu.memory_space<semaphore_mem>>) src(%arg9 : memref<128x128xf32, #tpu.memory_space<vmem>>) dst(%dma_wait3A_37 : memref<10240x128xf32, #tpu.memory_space<vmem_shared>>)
        tpu.yield
      }) : () -> ()
    }
    %scan3A_10 = arith.constant 160 : i32
    %barrier3A_11 = arith.constant 0 : index
    tpu.barrier barrier_id(%barrier3A_11)
    %mul3A_12 = arith.constant 640 : i32
    %mul3A_13 = arith.muli %arg1, %mul3A_12 : i32
    %mul3A_14 = arith.constant 10240 : i32
    %mul3A_15 = arith.muli %arg0, %mul3A_14 : i32
    %mul3A_16 = arith.constant 640 : i32
    %mul3A_17 = arith.muli %arg1, %mul3A_16 : i32
    %add3A_18 = arith.addi %mul3A_15, %mul3A_17 : i32
    "tpu.region"() ({
      %run_scoped3A = tpu.sem_alloc : memref<!tpu.dma_semaphore, #tpu.memory_space<semaphore_mem>>
      %dma_start3A = arith.constant 0 : i32
      %dma_start3A_19 = tpu.memref_slice %arg6[%add3A_18, %dma_start3A] : memref<20480x128xf32, #tpu.memory_space<hbm>> -> memref<640x128xf32, #tpu.memory_space<hbm>>
      %dma_start3A_20 = arith.constant 0 : i32
      %dma_start3A_21 = tpu.memref_slice %arg10[%mul3A_13, %dma_start3A_20] : memref<10240x128xf32, #tpu.memory_space<vmem_shared>> -> memref<640x128xf32, #tpu.memory_space<vmem_shared>>
      tpu.enqueue_dma source(%dma_start3A_21 : memref<640x128xf32, #tpu.memory_space<vmem_shared>>) target(%dma_start3A_19 : memref<640x128xf32, #tpu.memory_space<hbm>>) target_semaphore(%run_scoped3A : memref<!tpu.dma_semaphore, #tpu.memory_space<semaphore_mem>>)
      %dma_wait3A = arith.constant 0 : i32
      %dma_wait3A_22 = tpu.memref_slice %arg6[%add3A_18, %dma_wait3A] : memref<20480x128xf32, #tpu.memory_space<hbm>> -> memref<640x128xf32, #tpu.memory_space<hbm>>
      %dma_wait3A_23 = arith.constant 0 : i32
      %dma_wait3A_24 = tpu.memref_slice %arg10[%mul3A_13, %dma_wait3A_23] : memref<10240x128xf32, #tpu.memory_space<vmem_shared>> -> memref<640x128xf32, #tpu.memory_space<vmem_shared>>
      tpu.wait_dma2 semaphore(%run_scoped3A : memref<!tpu.dma_semaphore, #tpu.memory_space<semaphore_mem>>) src(%dma_wait3A_24 : memref<640x128xf32, #tpu.memory_space<vmem_shared>>) dst(%dma_wait3A_22 : memref<640x128xf32, #tpu.memory_space<hbm>>)
      tpu.yield
    }) : () -> ()
    return
  }
}

module attributes {stable_mosaic.version = 14 : i64} {
  func.func @body(%arg0: i32, %arg1: memref<1000x128xf32, #tpu.memory_space<vmem>>, %arg2: memref<1000x128xf32, #tpu.memory_space<vmem>>, %arg3: memref<1000x128xf32, #tpu.memory_space<vmem>>, %arg4: memref<1000x128xf32, #tpu.memory_space<vmem>>, %arg5: memref<1000x128xf32, #tpu.memory_space<vmem>>, %arg6: memref<128x256xf32, #tpu.memory_space<vmem>>, %arg7: memref<128x256xf32, #tpu.memory_space<vmem>>, %arg8: memref<128x256xf32, #tpu.memory_space<vmem>>, %arg9: memref<1x256xf32, #tpu.memory_space<vmem>>, %arg10: memref<1000x256xf32, #tpu.memory_space<vmem>>) attributes {dimension_semantics = [#tpu.dimension_semantics<arbitrary>], iteration_bounds = array<i64: 10>, scalar_prefetch = 0 : i64, scratch_operands = 0 : i64, tpu.core_type = #tpu.core_type<tc>, window_params = [{transform_indices = @transform_0, window_bounds = array<i64: 1000, 128>}, {transform_indices = @transform_1, window_bounds = array<i64: 1000, 128>}, {transform_indices = @transform_2, window_bounds = array<i64: 1000, 128>}, {transform_indices = @transform_3, window_bounds = array<i64: 1000, 128>}, {transform_indices = @transform_4, window_bounds = array<i64: 1000, 128>}, {pipeline_mode = #tpu.pipeline_mode<synchronous>, transform_indices = @transform_5, window_bounds = array<i64: 128, 256>}, {pipeline_mode = #tpu.pipeline_mode<synchronous>, transform_indices = @transform_6, window_bounds = array<i64: 128, 256>}, {pipeline_mode = #tpu.pipeline_mode<synchronous>, transform_indices = @transform_7, window_bounds = array<i64: 128, 256>}, {pipeline_mode = #tpu.pipeline_mode<synchronous>, transform_indices = @transform_8, window_bounds = array<i64: 1, 256>}, {transform_indices = @transform_9, window_bounds = array<i64: 1000, 256>}]} {
    %get3A = arith.constant 0 : index
    %get3A_0 = arith.constant 0 : index
    %get3A_1 = vector.load %arg4[%get3A, %get3A_0] : memref<1000x128xf32, #tpu.memory_space<vmem>>, vector<1000x1xf32>
    %get3A_2 = arith.constant 0 : index
    %get3A_3 = arith.constant 0 : index
    %get3A_4 = vector.load %arg5[%get3A_2, %get3A_3] : memref<1000x128xf32, #tpu.memory_space<vmem>>, vector<1000x1xf32>
    %add3A = arith.addf %get3A_1, %get3A_4 : vector<1000x1xf32>
    %max3A = arith.constant 1.000000e+00 : f32
    %max3A_5 = vector.broadcast %max3A : f32 to vector<1000x1xf32>
    %max3A_6 = arith.maximumf %add3A, %max3A_5 : vector<1000x1xf32>
    %div3A = arith.constant 1.000000e+00 : f32
    %div3A_7 = vector.broadcast %div3A : f32 to vector<1000x1xf32>
    %div3A_8 = arith.divf %div3A_7, %max3A_6 : vector<1000x1xf32>
    %get3A_9 = arith.constant 0 : index
    %get3A_10 = arith.constant 0 : index
    %get3A_11 = vector.load %arg1[%get3A_9, %get3A_10] : memref<1000x128xf32, #tpu.memory_space<vmem>>, vector<1000x128xf32>
    %get3A_12 = arith.constant 0 : index
    %get3A_13 = arith.constant 0 : index
    %get3A_14 = vector.load %arg6[%get3A_12, %get3A_13] : memref<128x256xf32, #tpu.memory_space<vmem>>, vector<128x256xf32>
    %dot_general3A = arith.constant dense<0.000000e+00> : vector<1000x256xf32>
    %dot_general3A_15 = tpu.matmul %get3A_11, %get3A_14, %dot_general3A {dimension_numbers = #tpu.dot_dimension_numbers<[1], [0], [0], [1], [0, 0, 1, 1], [], []>, transpose_lhs_hint = false} : vector<1000x128xf32>, vector<128x256xf32>, vector<1000x256xf32> -> vector<1000x256xf32>
    %get3A_16 = arith.constant 0 : index
    %get3A_17 = arith.constant 0 : index
    %get3A_18 = vector.load %arg2[%get3A_16, %get3A_17] : memref<1000x128xf32, #tpu.memory_space<vmem>>, vector<1000x128xf32>
    %get3A_19 = arith.constant 0 : index
    %get3A_20 = arith.constant 0 : index
    %get3A_21 = vector.load %arg3[%get3A_19, %get3A_20] : memref<1000x128xf32, #tpu.memory_space<vmem>>, vector<1000x128xf32>
    %add3A_22 = arith.addf %get3A_18, %get3A_21 : vector<1000x128xf32>
    %mul3A = vector.broadcast %div3A_8 : vector<1000x1xf32> to vector<1000x128xf32>
    %mul3A_23 = arith.mulf %add3A_22, %mul3A : vector<1000x128xf32>
    %get3A_24 = arith.constant 0 : index
    %get3A_25 = arith.constant 0 : index
    %get3A_26 = vector.load %arg7[%get3A_24, %get3A_25] : memref<128x256xf32, #tpu.memory_space<vmem>>, vector<128x256xf32>
    %dot_general3A_27 = arith.constant dense<0.000000e+00> : vector<1000x256xf32>
    %dot_general3A_28 = tpu.matmul %mul3A_23, %get3A_26, %dot_general3A_27 {dimension_numbers = #tpu.dot_dimension_numbers<[1], [0], [0], [1], [0, 0, 1, 1], [], []>, transpose_lhs_hint = false} : vector<1000x128xf32>, vector<128x256xf32>, vector<1000x256xf32> -> vector<1000x256xf32>
    %add3A_29 = arith.addf %dot_general3A_15, %dot_general3A_28 : vector<1000x256xf32>
    %get3A_30 = arith.constant 0 : index
    %get3A_31 = arith.constant 0 : index
    %get3A_32 = vector.load %arg9[%get3A_30, %get3A_31] : memref<1x256xf32, #tpu.memory_space<vmem>>, vector<1x256xf32>
    %add3A_33 = vector.broadcast %get3A_32 : vector<1x256xf32> to vector<1000x256xf32>
    %add3A_34 = arith.addf %add3A_29, %add3A_33 : vector<1000x256xf32>
    %max3A_35 = arith.constant 0.000000e+00 : f32
    %max3A_36 = vector.broadcast %max3A_35 : f32 to vector<1000x256xf32>
    %max3A_37 = arith.maximumf %add3A_34, %max3A_36 : vector<1000x256xf32>
    %swap3A = arith.constant 0 : index
    %swap3A_38 = arith.constant 0 : index
    %swap3A_39 = vector.load %arg10[%swap3A, %swap3A_38] : memref<1000x256xf32, #tpu.memory_space<vmem>>, vector<1000x256xf32>
    tpu.vector_store %arg10[%swap3A, %swap3A_38], %max3A_37 {strides = array<i32>} : memref<1000x256xf32, #tpu.memory_space<vmem>>, vector<1000x256xf32>,
    return
  }
  func.func @transform_0(%arg0: i32) -> (i32, i32) {
    %c0_i32 = arith.constant 0 : i32
    %c0_i32_0 = arith.constant 0 : i32
    return %arg0, %c0_i32 : i32, i32
  }
  func.func @transform_1(%arg0: i32) -> (i32, i32) {
    %c0_i32 = arith.constant 0 : i32
    %c0_i32_0 = arith.constant 0 : i32
    return %arg0, %c0_i32 : i32, i32
  }
  func.func @transform_2(%arg0: i32) -> (i32, i32) {
    %c0_i32 = arith.constant 0 : i32
    %c0_i32_0 = arith.constant 0 : i32
    return %arg0, %c0_i32 : i32, i32
  }
  func.func @transform_3(%arg0: i32) -> (i32, i32) {
    %c0_i32 = arith.constant 0 : i32
    %c0_i32_0 = arith.constant 0 : i32
    return %arg0, %c0_i32 : i32, i32
  }
  func.func @transform_4(%arg0: i32) -> (i32, i32) {
    %c0_i32 = arith.constant 0 : i32
    %c0_i32_0 = arith.constant 0 : i32
    return %arg0, %c0_i32 : i32, i32
  }
  func.func @transform_5(%arg0: i32) -> (i32, i32) {
    %c0_i32 = arith.constant 0 : i32
    %c0_i32_0 = arith.constant 0 : i32
    %c0_i32_1 = arith.constant 0 : i32
    return %c0_i32, %c0_i32_0 : i32, i32
  }
  func.func @transform_6(%arg0: i32) -> (i32, i32) {
    %c0_i32 = arith.constant 0 : i32
    %c0_i32_0 = arith.constant 0 : i32
    %c0_i32_1 = arith.constant 0 : i32
    return %c0_i32, %c0_i32_0 : i32, i32
  }
  func.func @transform_7(%arg0: i32) -> (i32, i32) {
    %c0_i32 = arith.constant 0 : i32
    %c0_i32_0 = arith.constant 0 : i32
    %c0_i32_1 = arith.constant 0 : i32
    return %c0_i32, %c0_i32_0 : i32, i32
  }
  func.func @transform_8(%arg0: i32) -> (i32, i32) {
    %c0_i32 = arith.constant 0 : i32
    %c0_i32_0 = arith.constant 0 : i32
    %c0_i32_1 = arith.constant 0 : i32
    return %c0_i32, %c0_i32_0 : i32, i32
  }
  func.func @transform_9(%arg0: i32) -> (i32, i32) {
    %c0_i32 = arith.constant 0 : i32
    %c0_i32_0 = arith.constant 0 : i32
    return %arg0, %c0_i32 : i32, i32
  }
}

module attributes {stable_mosaic.version = 14 : i64} {
  func.func @body(%arg0: i32, %arg1: memref<1000x256xf32, #tpu.memory_space<vmem>>, %arg2: memref<1000x128xf32, #tpu.memory_space<vmem>>, %arg3: memref<1000x128xf32, #tpu.memory_space<vmem>>, %arg4: memref<1000x128xf32, #tpu.memory_space<vmem>>, %arg5: memref<1000x128xf32, #tpu.memory_space<vmem>>, %arg6: memref<256x256xf32, #tpu.memory_space<vmem>>, %arg7: memref<128x256xf32, #tpu.memory_space<vmem>>, %arg8: memref<128x256xf32, #tpu.memory_space<vmem>>, %arg9: memref<1x256xf32, #tpu.memory_space<vmem>>, %arg10: memref<256x128xf32, #tpu.memory_space<vmem>>, %arg11: memref<1000x256xf32, #tpu.memory_space<vmem>>, %arg12: memref<1000x128xf32, #tpu.memory_space<vmem>>) attributes {dimension_semantics = [#tpu.dimension_semantics<arbitrary>], iteration_bounds = array<i64: 10>, scalar_prefetch = 0 : i64, scratch_operands = 0 : i64, tpu.core_type = #tpu.core_type<tc>, window_params = [{transform_indices = @transform_0, window_bounds = array<i64: 1000, 256>}, {transform_indices = @transform_1, window_bounds = array<i64: 1000, 128>}, {transform_indices = @transform_2, window_bounds = array<i64: 1000, 128>}, {transform_indices = @transform_3, window_bounds = array<i64: 1000, 128>}, {transform_indices = @transform_4, window_bounds = array<i64: 1000, 128>}, {pipeline_mode = #tpu.pipeline_mode<synchronous>, transform_indices = @transform_5, window_bounds = array<i64: 256, 256>}, {pipeline_mode = #tpu.pipeline_mode<synchronous>, transform_indices = @transform_6, window_bounds = array<i64: 128, 256>}, {pipeline_mode = #tpu.pipeline_mode<synchronous>, transform_indices = @transform_7, window_bounds = array<i64: 128, 256>}, {pipeline_mode = #tpu.pipeline_mode<synchronous>, transform_indices = @transform_8, window_bounds = array<i64: 1, 256>}, {pipeline_mode = #tpu.pipeline_mode<synchronous>, transform_indices = @transform_9, window_bounds = array<i64: 256, 128>}, {transform_indices = @transform_10, window_bounds = array<i64: 1000, 256>}, {transform_indices = @transform_11, window_bounds = array<i64: 1000, 128>}]} {
    %get3A = arith.constant 0 : index
    %get3A_0 = arith.constant 0 : index
    %get3A_1 = vector.load %arg4[%get3A, %get3A_0] : memref<1000x128xf32, #tpu.memory_space<vmem>>, vector<1000x1xf32>
    %get3A_2 = arith.constant 0 : index
    %get3A_3 = arith.constant 0 : index
    %get3A_4 = vector.load %arg5[%get3A_2, %get3A_3] : memref<1000x128xf32, #tpu.memory_space<vmem>>, vector<1000x1xf32>
    %add3A = arith.addf %get3A_1, %get3A_4 : vector<1000x1xf32>
    %max3A = arith.constant 1.000000e+00 : f32
    %max3A_5 = vector.broadcast %max3A : f32 to vector<1000x1xf32>
    %max3A_6 = arith.maximumf %add3A, %max3A_5 : vector<1000x1xf32>
    %div3A = arith.constant 1.000000e+00 : f32
    %div3A_7 = vector.broadcast %div3A : f32 to vector<1000x1xf32>
    %div3A_8 = arith.divf %div3A_7, %max3A_6 : vector<1000x1xf32>
    %get3A_9 = arith.constant 0 : index
    %get3A_10 = arith.constant 0 : index
    %get3A_11 = vector.load %arg1[%get3A_9, %get3A_10] : memref<1000x256xf32, #tpu.memory_space<vmem>>, vector<1000x256xf32>
    %get3A_12 = arith.constant 0 : index
    %get3A_13 = arith.constant 0 : index
    %get3A_14 = vector.load %arg6[%get3A_12, %get3A_13] : memref<256x256xf32, #tpu.memory_space<vmem>>, vector<256x256xf32>
    %dot_general3A = arith.constant dense<0.000000e+00> : vector<1000x256xf32>
    %dot_general3A_15 = tpu.matmul %get3A_11, %get3A_14, %dot_general3A {dimension_numbers = #tpu.dot_dimension_numbers<[1], [0], [0], [1], [0, 0, 1, 1], [], []>, transpose_lhs_hint = false} : vector<1000x256xf32>, vector<256x256xf32>, vector<1000x256xf32> -> vector<1000x256xf32>
    %get3A_16 = arith.constant 0 : index
    %get3A_17 = arith.constant 0 : index
    %get3A_18 = vector.load %arg2[%get3A_16, %get3A_17] : memref<1000x128xf32, #tpu.memory_space<vmem>>, vector<1000x128xf32>
    %mul3A = vector.broadcast %div3A_8 : vector<1000x1xf32> to vector<1000x128xf32>
    %mul3A_19 = arith.mulf %get3A_18, %mul3A : vector<1000x128xf32>
    %get3A_20 = arith.constant 0 : index
    %get3A_21 = arith.constant 0 : index
    %get3A_22 = vector.load %arg7[%get3A_20, %get3A_21] : memref<128x256xf32, #tpu.memory_space<vmem>>, vector<128x256xf32>
    %dot_general3A_23 = arith.constant dense<0.000000e+00> : vector<1000x256xf32>
    %dot_general3A_24 = tpu.matmul %mul3A_19, %get3A_22, %dot_general3A_23 {dimension_numbers = #tpu.dot_dimension_numbers<[1], [0], [0], [1], [0, 0, 1, 1], [], []>, transpose_lhs_hint = false} : vector<1000x128xf32>, vector<128x256xf32>, vector<1000x256xf32> -> vector<1000x256xf32>
    %add3A_25 = arith.addf %dot_general3A_15, %dot_general3A_24 : vector<1000x256xf32>
    %get3A_26 = arith.constant 0 : index
    %get3A_27 = arith.constant 0 : index
    %get3A_28 = vector.load %arg3[%get3A_26, %get3A_27] : memref<1000x128xf32, #tpu.memory_space<vmem>>, vector<1000x128xf32>
    %mul3A_29 = vector.broadcast %div3A_8 : vector<1000x1xf32> to vector<1000x128xf32>
    %mul3A_30 = arith.mulf %get3A_28, %mul3A_29 : vector<1000x128xf32>
    %get3A_31 = arith.constant 0 : index
    %get3A_32 = arith.constant 0 : index
    %get3A_33 = vector.load %arg8[%get3A_31, %get3A_32] : memref<128x256xf32, #tpu.memory_space<vmem>>, vector<128x256xf32>
    %dot_general3A_34 = arith.constant dense<0.000000e+00> : vector<1000x256xf32>
    %dot_general3A_35 = tpu.matmul %mul3A_30, %get3A_33, %dot_general3A_34 {dimension_numbers = #tpu.dot_dimension_numbers<[1], [0], [0], [1], [0, 0, 1, 1], [], []>, transpose_lhs_hint = false} : vector<1000x128xf32>, vector<128x256xf32>, vector<1000x256xf32> -> vector<1000x256xf32>
    %add3A_36 = arith.addf %add3A_25, %dot_general3A_35 : vector<1000x256xf32>
    %get3A_37 = arith.constant 0 : index
    %get3A_38 = arith.constant 0 : index
    %get3A_39 = vector.load %arg9[%get3A_37, %get3A_38] : memref<1x256xf32, #tpu.memory_space<vmem>>, vector<1x256xf32>
    %add3A_40 = vector.broadcast %get3A_39 : vector<1x256xf32> to vector<1000x256xf32>
    %add3A_41 = arith.addf %add3A_36, %add3A_40 : vector<1000x256xf32>
    %max3A_42 = arith.constant 0.000000e+00 : f32
    %max3A_43 = vector.broadcast %max3A_42 : f32 to vector<1000x256xf32>
    %max3A_44 = arith.maximumf %add3A_41, %max3A_43 : vector<1000x256xf32>
    %swap3A = arith.constant 0 : index
    %swap3A_45 = arith.constant 0 : index
    %swap3A_46 = vector.load %arg11[%swap3A, %swap3A_45] : memref<1000x256xf32, #tpu.memory_space<vmem>>, vector<1000x256xf32>
    tpu.vector_store %arg11[%swap3A, %swap3A_45], %max3A_44 {strides = array<i32>} : memref<1000x256xf32, #tpu.memory_space<vmem>>, vector<1000x256xf32>,
    %get3A_47 = arith.constant 0 : index
    %get3A_48 = arith.constant 0 : index
    %get3A_49 = vector.load %arg10[%get3A_47, %get3A_48] : memref<256x128xf32, #tpu.memory_space<vmem>>, vector<256x128xf32>
    %dot_general3A_50 = arith.constant dense<0.000000e+00> : vector<1000x128xf32>
    %dot_general3A_51 = tpu.matmul %max3A_44, %get3A_49, %dot_general3A_50 {dimension_numbers = #tpu.dot_dimension_numbers<[1], [0], [0], [1], [0, 0, 1, 1], [], []>, transpose_lhs_hint = false} : vector<1000x256xf32>, vector<256x128xf32>, vector<1000x128xf32> -> vector<1000x128xf32>
    %swap3A_52 = arith.constant 0 : index
    %swap3A_53 = arith.constant 0 : index
    %swap3A_54 = vector.load %arg12[%swap3A_52, %swap3A_53] : memref<1000x128xf32, #tpu.memory_space<vmem>>, vector<1000x128xf32>
    tpu.vector_store %arg12[%swap3A_52, %swap3A_53], %dot_general3A_51 {strides = array<i32>} : memref<1000x128xf32, #tpu.memory_space<vmem>>, vector<1000x128xf32>,
    return
  }
  func.func @transform_0(%arg0: i32) -> (i32, i32) {
    %c0_i32 = arith.constant 0 : i32
    %c0_i32_0 = arith.constant 0 : i32
    return %arg0, %c0_i32 : i32, i32
  }
  func.func @transform_1(%arg0: i32) -> (i32, i32) {
    %c0_i32 = arith.constant 0 : i32
    %c0_i32_0 = arith.constant 0 : i32
    return %arg0, %c0_i32 : i32, i32
  }
  func.func @transform_2(%arg0: i32) -> (i32, i32) {
    %c0_i32 = arith.constant 0 : i32
    %c0_i32_0 = arith.constant 0 : i32
    return %arg0, %c0_i32 : i32, i32
  }
  func.func @transform_3(%arg0: i32) -> (i32, i32) {
    %c0_i32 = arith.constant 0 : i32
    %c0_i32_0 = arith.constant 0 : i32
    return %arg0, %c0_i32 : i32, i32
  }
  func.func @transform_4(%arg0: i32) -> (i32, i32) {
    %c0_i32 = arith.constant 0 : i32
    %c0_i32_0 = arith.constant 0 : i32
    return %arg0, %c0_i32 : i32, i32
  }
  func.func @transform_5(%arg0: i32) -> (i32, i32) {
    %c0_i32 = arith.constant 0 : i32
    %c0_i32_0 = arith.constant 0 : i32
    %c0_i32_1 = arith.constant 0 : i32
    return %c0_i32, %c0_i32_0 : i32, i32
  }
  func.func @transform_6(%arg0: i32) -> (i32, i32) {
    %c0_i32 = arith.constant 0 : i32
    %c0_i32_0 = arith.constant 0 : i32
    %c0_i32_1 = arith.constant 0 : i32
    return %c0_i32, %c0_i32_0 : i32, i32
  }
  func.func @transform_7(%arg0: i32) -> (i32, i32) {
    %c0_i32 = arith.constant 0 : i32
    %c0_i32_0 = arith.constant 0 : i32
    %c0_i32_1 = arith.constant 0 : i32
    return %c0_i32, %c0_i32_0 : i32, i32
  }
  func.func @transform_8(%arg0: i32) -> (i32, i32) {
    %c0_i32 = arith.constant 0 : i32
    %c0_i32_0 = arith.constant 0 : i32
    %c0_i32_1 = arith.constant 0 : i32
    return %c0_i32, %c0_i32_0 : i32, i32
  }
  func.func @transform_9(%arg0: i32) -> (i32, i32) {
    %c0_i32 = arith.constant 0 : i32
    %c0_i32_0 = arith.constant 0 : i32
    %c0_i32_1 = arith.constant 0 : i32
    return %c0_i32, %c0_i32_0 : i32, i32
  }
  func.func @transform_10(%arg0: i32) -> (i32, i32) {
    %c0_i32 = arith.constant 0 : i32
    %c0_i32_0 = arith.constant 0 : i32
    return %arg0, %c0_i32 : i32, i32
  }
  func.func @transform_11(%arg0: i32) -> (i32, i32) {
    %c0_i32 = arith.constant 0 : i32
    %c0_i32_0 = arith.constant 0 : i32
    return %arg0, %c0_i32 : i32, i32
  }
}

module attributes {stable_mosaic.version = 14 : i64} {
  func.func @body(%arg0: i32, %arg1: memref<1000x256xf32, #tpu.memory_space<vmem>>, %arg2: memref<1000x128xf32, #tpu.memory_space<vmem>>, %arg3: memref<1000x128xf32, #tpu.memory_space<vmem>>, %arg4: memref<1000x128xf32, #tpu.memory_space<vmem>>, %arg5: memref<1000x128xf32, #tpu.memory_space<vmem>>, %arg6: memref<256x128xf32, #tpu.memory_space<vmem>>, %arg7: memref<1x128xf32, #tpu.memory_space<vmem>>, %arg8: memref<1000x128xf32, #tpu.memory_space<vmem>>) attributes {dimension_semantics = [#tpu.dimension_semantics<arbitrary>], iteration_bounds = array<i64: 10>, scalar_prefetch = 0 : i64, scratch_operands = 0 : i64, tpu.core_type = #tpu.core_type<tc>, window_params = [{transform_indices = @transform_0, window_bounds = array<i64: 1000, 256>}, {transform_indices = @transform_1, window_bounds = array<i64: 1000, 128>}, {transform_indices = @transform_2, window_bounds = array<i64: 1000, 128>}, {transform_indices = @transform_3, window_bounds = array<i64: 1000, 128>}, {transform_indices = @transform_4, window_bounds = array<i64: 1000, 128>}, {pipeline_mode = #tpu.pipeline_mode<synchronous>, transform_indices = @transform_5, window_bounds = array<i64: 256, 128>}, {pipeline_mode = #tpu.pipeline_mode<synchronous>, transform_indices = @transform_6, window_bounds = array<i64: 1, 128>}, {transform_indices = @transform_7, window_bounds = array<i64: 1000, 128>}]} {
    %get3A = arith.constant 0 : index
    %get3A_0 = arith.constant 0 : index
    %get3A_1 = vector.load %arg4[%get3A, %get3A_0] : memref<1000x128xf32, #tpu.memory_space<vmem>>, vector<1000x1xf32>
    %get3A_2 = arith.constant 0 : index
    %get3A_3 = arith.constant 0 : index
    %get3A_4 = vector.load %arg5[%get3A_2, %get3A_3] : memref<1000x128xf32, #tpu.memory_space<vmem>>, vector<1000x1xf32>
    %add3A = arith.addf %get3A_1, %get3A_4 : vector<1000x1xf32>
    %max3A = arith.constant 1.000000e+00 : f32
    %max3A_5 = vector.broadcast %max3A : f32 to vector<1000x1xf32>
    %max3A_6 = arith.maximumf %add3A, %max3A_5 : vector<1000x1xf32>
    %div3A = arith.constant 1.000000e+00 : f32
    %div3A_7 = vector.broadcast %div3A : f32 to vector<1000x1xf32>
    %div3A_8 = arith.divf %div3A_7, %max3A_6 : vector<1000x1xf32>
    %get3A_9 = arith.constant 0 : index
    %get3A_10 = arith.constant 0 : index
    %get3A_11 = vector.load %arg1[%get3A_9, %get3A_10] : memref<1000x256xf32, #tpu.memory_space<vmem>>, vector<1000x256xf32>
    %get3A_12 = arith.constant 0 : index
    %get3A_13 = arith.constant 0 : index
    %get3A_14 = vector.load %arg6[%get3A_12, %get3A_13] : memref<256x128xf32, #tpu.memory_space<vmem>>, vector<256x128xf32>
    %dot_general3A = arith.constant dense<0.000000e+00> : vector<1000x128xf32>
    %dot_general3A_15 = tpu.matmul %get3A_11, %get3A_14, %dot_general3A {dimension_numbers = #tpu.dot_dimension_numbers<[1], [0], [0], [1], [0, 0, 1, 1], [], []>, transpose_lhs_hint = false} : vector<1000x256xf32>, vector<256x128xf32>, vector<1000x128xf32> -> vector<1000x128xf32>
    %get3A_16 = arith.constant 0 : index
    %get3A_17 = arith.constant 0 : index
    %get3A_18 = vector.load %arg2[%get3A_16, %get3A_17] : memref<1000x128xf32, #tpu.memory_space<vmem>>, vector<1000x128xf32>
    %get3A_19 = arith.constant 0 : index
    %get3A_20 = arith.constant 0 : index
    %get3A_21 = vector.load %arg3[%get3A_19, %get3A_20] : memref<1000x128xf32, #tpu.memory_space<vmem>>, vector<1000x128xf32>
    %add3A_22 = arith.addf %get3A_18, %get3A_21 : vector<1000x128xf32>
    %mul3A = vector.broadcast %div3A_8 : vector<1000x1xf32> to vector<1000x128xf32>
    %mul3A_23 = arith.mulf %add3A_22, %mul3A : vector<1000x128xf32>
    %add3A_24 = arith.addf %dot_general3A_15, %mul3A_23 : vector<1000x128xf32>
    %get3A_25 = arith.constant 0 : index
    %get3A_26 = arith.constant 0 : index
    %get3A_27 = vector.load %arg7[%get3A_25, %get3A_26] : memref<1x128xf32, #tpu.memory_space<vmem>>, vector<1x128xf32>
    %add3A_28 = vector.broadcast %get3A_27 : vector<1x128xf32> to vector<1000x128xf32>
    %add3A_29 = arith.addf %add3A_24, %add3A_28 : vector<1000x128xf32>
    %swap3A = arith.constant 0 : index
    %swap3A_30 = arith.constant 0 : index
    %swap3A_31 = vector.load %arg8[%swap3A, %swap3A_30] : memref<1000x128xf32, #tpu.memory_space<vmem>>, vector<1000x128xf32>
    tpu.vector_store %arg8[%swap3A, %swap3A_30], %add3A_29 {strides = array<i32>} : memref<1000x128xf32, #tpu.memory_space<vmem>>, vector<1000x128xf32>,
    return
  }
  func.func @transform_0(%arg0: i32) -> (i32, i32) {
    %c0_i32 = arith.constant 0 : i32
    %c0_i32_0 = arith.constant 0 : i32
    return %arg0, %c0_i32 : i32, i32
  }
  func.func @transform_1(%arg0: i32) -> (i32, i32) {
    %c0_i32 = arith.constant 0 : i32
    %c0_i32_0 = arith.constant 0 : i32
    return %arg0, %c0_i32 : i32, i32
  }
  func.func @transform_2(%arg0: i32) -> (i32, i32) {
    %c0_i32 = arith.constant 0 : i32
    %c0_i32_0 = arith.constant 0 : i32
    return %arg0, %c0_i32 : i32, i32
  }
  func.func @transform_3(%arg0: i32) -> (i32, i32) {
    %c0_i32 = arith.constant 0 : i32
    %c0_i32_0 = arith.constant 0 : i32
    return %arg0, %c0_i32 : i32, i32
  }
  func.func @transform_4(%arg0: i32) -> (i32, i32) {
    %c0_i32 = arith.constant 0 : i32
    %c0_i32_0 = arith.constant 0 : i32
    return %arg0, %c0_i32 : i32, i32
  }
  func.func @transform_5(%arg0: i32) -> (i32, i32) {
    %c0_i32 = arith.constant 0 : i32
    %c0_i32_0 = arith.constant 0 : i32
    %c0_i32_1 = arith.constant 0 : i32
    return %c0_i32, %c0_i32_0 : i32, i32
  }
  func.func @transform_6(%arg0: i32) -> (i32, i32) {
    %c0_i32 = arith.constant 0 : i32
    %c0_i32_0 = arith.constant 0 : i32
    %c0_i32_1 = arith.constant 0 : i32
    return %c0_i32, %c0_i32_0 : i32, i32
  }
  func.func @transform_7(%arg0: i32) -> (i32, i32) {
    %c0_i32 = arith.constant 0 : i32
    %c0_i32_0 = arith.constant 0 : i32
    return %arg0, %c0_i32 : i32, i32
  }
}

</mosaic_0001>

<sc_bundles>
// kernel: kernel.12.cloned.1.call-start
scs
__scs_entry_jumppad:
0x0: {  	(pc) =	sbr.rel $0x88, $3  }
0x1: {  	(tag) =	ssettag $0x0;
	lr =	simm.s32 $0x1  }
0x2: {  	[smem:$0x3F96] =	sst lr;
	_ =	strace $0xD0000000  }
0x3: {  	_ = 	snop  }
0x4: {  	_ = 	snop  }
0x5: {  	_ = 	snop  }
0x6: {  	_ = 	snop  }
0x7: {  	_ = 	snop  }
__scs_overlays_trampoline_lowered:
0x8: {  	[smem:$0x3FA5] =	sst s0  }
0x9: {  	[smem:$0x3FA6] =	sst s1  }
0xa: {  	[smem:$0x3FA7] =	sst s2  }
0xb: {  	[smem:$0x3FA8] =	sst s3  }
0xc: {  	[smem:$0x3FA9] =	sst s4  }
0xd: {  	[smem:$0x3FAA] =	sst s5  }
0xe: {  	[smem:$0x3FAB] =	sst s6  }
0xf: {  	[smem:$0x3FAC] =	sst s7  }
0x10: {  	[smem:$0x3FAD] =	sst s8  }
0x11: {  	[smem:$0x3FAE] =	sst s9;
	s0 =	simm.s32 @!p0 $0x0  }
0x12: {  	s1 =	sld [smem:$0x3F94];
	s0 =	simm.s32 @p0 $0x1  }
0x13: {  	[smem:$0x3FAF] =	sst s0;
	s0 =	simm.s32 @!p1 $0x0  }
0x14: {  	s2 =	sld [smem:$0x3F93];
	s0 =	simm.s32 @p1 $0x1  }
0x15: {  	[smem:$0x3FB0] =	sst s0;
	s0 =	simm.s32 @!p2 $0x0  }
0x16: {  	s3 =	sld [smem:$0x3FDB];
	s0 =	simm.s32 @p2 $0x1  }
0x17: {  	s4 =	simm.s32 $0x1BF5;
	[smem:$0x3FB2] =	sst s0  }
0x18: {  	s0 =	sld [smem:$0x3F95];
	_ =	swait.ge [sflag:s4], $0x0  }
0x19: {  	s7 =	sld [smem:$0x3F96]  }
0x1a: {  	s8 =	sadd.s32 $0xFFFFE003, lr  }
0x1b: {  	s9 =	sadd.s32 $0xFFFFFEF7, lr;
	s5 =	simm.s32 $0xFFFFFFFF;
	p2 =	slt.u32 s8, $0xFFFFF086  }
0x1c: {  	p1 =	slt.u32 s9, $0xF7A;
	s5 =	simm.s32 @!p2 $0x0  }
0x1d: {  	s5 =	simm.s32 @p1 $0x1;
	p0 =	seq.s32 s7, s2  }
0x1e: {  	s7 =	smul.u32 @!p0 $0xF7A, s2;
	p2 =	seq.s32 @!p0 s5, $0x0  }
0x1f: {  	s9 =	smul.u32 $0xF7A, s1;
	s8 =	simm.s32 @!p0 $0x1BF5;
	p2 =	por !p2, p0  }
0x20: {  	[sflag:s8] =	ssyncset.s32 @!p0 $0xFFFFF086;
	s6 =	sadd.s32 @!p0 s3, s7;
	s7 =	simm.s32 @!p0 $0x108  }
0x21: {  	s3 =	sadd.s32 s3, s9;
	s6 =	sadd.s32 @!p0 $0x88, s6;
	s7 =	simm.s32 @p2 $0x1082  }
0x22: {  	[simem:s7], [sflag:s8] =	dma.local @!p0 [hbm:s6], $0xF7A  }
0x23: {  	s9 =	sor.u32 $0xD0000000, s2;
	s6 =	simm.s32 $0x108;
	_ =	swait.ge @!p0 [sflag:s8], $0x0  }
0x24: {  	s3 =	sadd.s32 $0x88, s3;
	s6 =	simm.s32 @!p1 $0x1082;
	[sflag:s4] =	ssyncset.s32 $0xFFFFF086  }
0x25: {  	[simem:s6], [sflag:s4] =	dma.local [hbm:s3], $0xF7A  }
0x26: {  	[smem:$0x3F96] =	sst s1;
	(tag) =	ssettag s2;
	_ =	strace s9  }
0x27: {  	s1 =	sld [smem:$0x3FA6]  }
0x28: {  	s2 =	sld [smem:$0x3FA7]  }
0x29: {  	s4 =	sld [smem:$0x3FA9]  }
0x2a: {  	p0 =	seq.s32 s5, $0x0;
	s5 =	sld [smem:$0x3FAA]  }
0x2b: {  	s6 =	sld [smem:$0x3FAB]  }
0x2c: {  	s7 =	sld [smem:$0x3FAC]  }
0x2d: {  	s3 =	simm.s32 $0x108;
	s8 =	sld [smem:$0x3FAD]  }
0x2e: {  	s3 =	simm.s32 @!p0 $0x1082;
	s9 =	sld [smem:$0x3FAE]  }
0x2f: {  	lr =	sadd.s32 s0, s3;
	s0 =	sld [smem:$0x3FA5]  }
0x30: {  	s3 =	sld [smem:$0x3FA8]  }
0x31: {  	[smem:$0x3FB1] =	sst s10  }
0x32: {  	s10 =	sld [smem:$0x3FAF];
	_ =	sdelay $0x3  }
0x33: {  	p0 =	seq.s32 s10, $0x1;
	s10 =	sld [smem:$0x3FB1];
	_ =	sdelay $0x3  }
0x34: {  	[smem:$0x3FB1] =	sst s10  }
0x35: {  	s10 =	sld [smem:$0x3FB0];
	_ =	sdelay $0x3  }
0x36: {  	p1 =	seq.s32 s10, $0x1;
	s10 =	sld [smem:$0x3FB1];
	_ =	sdelay $0x3  }
0x37: {  	[smem:$0x3FB1] =	sst s10  }
0x38: {  	s10 =	sld [smem:$0x3FB2]  }
0x39: {  	_ = 	snop;
	(pc) =	sbr.ind lr, $3  }
0x3a: {  	_ = 	snop  }
0x3b: {  	_ = 	snop  }
0x3c: {  	p2 =	seq.s32 s10, $0x1;
	s10 =	sld [smem:$0x3FB1]  }
0x3d: {  	_ =	shalt  }
0x3e: {  	_ =	shalt  }
0x3f: {  	_ =	shalt  }
0x40: {  	_ =	shalt  }
0x41: {  	_ =	shalt  }
0x42: {  	_ =	shalt  }
0x43: {  	_ =	shalt  }
0x44: {  	_ =	shalt  }
0x45: {  	_ =	shalt  }
0x46: {  	_ =	shalt  }
0x47: {  	_ =	shalt  }
0x48: {  	_ =	shalt  }
0x49: {  	_ =	shalt  }
0x4a: {  	_ =	shalt  }
0x4b: {  	_ =	shalt  }
0x4c: {  	_ =	shalt  }
0x4d: {  	_ =	shalt  }
0x4e: {  	_ =	shalt  }
0x4f: {  	_ =	shalt  }
0x50: {  	_ =	shalt  }
0x51: {  	_ =	shalt  }
0x52: {  	_ =	shalt  }
0x53: {  	_ =	shalt  }
0x54: {  	_ =	shalt  }
0x55: {  	_ =	shalt  }
0x56: {  	_ =	shalt  }
0x57: {  	_ =	shalt  }
0x58: {  	_ =	shalt  }
0x59: {  	_ =	shalt  }
0x5a: {  	_ =	shalt  }
0x5b: {  	_ =	shalt  }
0x5c: {  	_ =	shalt  }
0x5d: {  	_ =	shalt  }
0x5e: {  	_ =	shalt  }
0x5f: {  	_ =	shalt  }
0x60: {  	_ =	shalt  }
0x61: {  	_ =	shalt  }
0x62: {  	_ =	shalt  }
0x63: {  	_ =	shalt  }
0x64: {  	_ =	shalt  }
0x65: {  	_ =	shalt  }
0x66: {  	_ =	shalt  }
0x67: {  	_ =	shalt  }
0x68: {  	_ =	shalt  }
0x69: {  	_ =	shalt  }
0x6a: {  	_ =	shalt  }
0x6b: {  	_ =	shalt  }
0x6c: {  	_ =	shalt  }
0x6d: {  	_ =	shalt  }
0x6e: {  	_ =	shalt  }
0x6f: {  	_ =	shalt  }
0x70: {  	_ =	shalt  }
0x71: {  	_ =	shalt  }
0x72: {  	_ =	shalt  }
0x73: {  	_ =	shalt  }
0x74: {  	_ =	shalt  }
0x75: {  	_ =	shalt  }
0x76: {  	_ =	shalt  }
0x77: {  	_ =	shalt  }
0x78: {  	_ =	shalt  }
0x79: {  	_ =	shalt  }
0x7a: {  	_ =	shalt  }
0x7b: {  	_ =	shalt  }
0x7c: {  	_ =	shalt  }
0x7d: {  	_ =	shalt  }
0x7e: {  	_ =	shalt  }
0x7f: {  	_ =	shalt  }
0x80: {  	_ =	shalt  }
0x81: {  	_ =	shalt  }
0x82: {  	_ =	shalt  }
0x83: {  	_ =	shalt  }
0x84: {  	_ =	shalt  }
0x85: {  	_ =	shalt  }
0x86: {  	_ =	shalt  }
0x87: {  	_ =	shalt  }
.Lfunc_end0:
.L_simem_size_0:
called_computation.1_lowered:
.L_overlay_start_0:
0x88: {  	s2 =	sld [smem:$0x3FD9]  }
0x89: {  	s3 =	sld [smem:$0x3FFE];
	_ =	sdelay $0x1  }
0x8a: {  	s1 =	srdreg.scid  }
0x8b: {  	s0 =	sand.u32 $0x1, s1  }
0x8c: {  	s17 =	sshll.u32 s0, $0xA;
	s2 =	sadd.s32 s3, s2  }
0x8d: {  	s2 =	sadd.s32 s2, s17  }
0x8e: {  	[smem:$0x3FBD] =	sst s2  }
0x8f: {  	_ = 	snop  }
0x90: {  	s2 =	sld [smem:$0x3FC9];
	(tm) =	ssettm $0x1  }
0x91: {  	s18 =	sld [smem:$0x3FFB];
	_ =	sdelay $0x3  }
0x92: {  	_ =	strace s18  }
0x93: {  	s3 =	sld [smem:$0x3FFC];
	_ =	sdelay $0x3  }
0x94: {  	_ =	strace s3  }
0x95: {  	s3 =	sld [smem:$0x3FFD];
	_ =	sdelay $0x3  }
0x96: {  	_ =	strace s3  }
0x97: {  	_ =	strace $0x8FFFFFFF  }
0x98: {  	s19 =	sld [smem:$0x3FDB];
	_ =	sdelay $0x1  }
0x99: {  	s4 =	simm.s32 $_scs_section_size  }
0x9a: {  	s5 =	simm.s32 $_size__tile_overlayer_lowered;
	s6 =	simm.s32 $_tile_overlayer_lowered  }
0x9b: {  	s22 =	simm.s32 $0x1BFF;
	s21 =	sshll.u32 s6, $0x1;
	s3 =	sadd.s32 s4, s19  }
0x9c: {  	s7 =	simm.s32 $0x0;
	s20 =	sshll.u32 s5, $0x1;
	s5 =	sadd.s32 s21, s3  }
0x9d: {  	[timem:s7], [sflag:s22] =	dma.local [hbm:s5], s20  }
0x9e: {  	_ =	swait.ge [sflag:s22], s20  }
0x9f: {  	s4 =	ssub.s32 $0x0, s20;
	[sflag:s22] =	ssyncset.done $0x0  }
0xa0: {  	[sflag:s22] =	ssyncadd.s32 s4;
	_ =	sdelay $0x1  }
0xa1: {  	s23 =	simm.s32 $0x1B8B  }
0xa2: {  	_ =	swait.ge [sflag:s23], $0x1  }
0xa3: {  	[sflag:s23] =	ssyncset.done $0x0  }
0xa4: {  	s25 =	simm.s32 $0x1B8E;
	s24 =	sld [smem:$0x3FFE];
	[sflag:s23] =	ssyncadd.s32 $0xFFFFFFFF  }
0xa5: {  	s26 =	simm.s32 $execute0_lowered;
	[smem:$0x3FD2] =	sst s25  }
0xa6: {  	s5 =	sshll.u32 s26, $0x1;
	_ =	strace $0x80000046;
	[dreg:$0x1] =	wrdreg $0xFFFFFFFF  }
0xa7: {  	s28 =	simm.s32 $_size_execute0_lowered;
	s3 =	sadd.s32 s3, s5;
	[dreg:$0x0] =	wrdreg $0x0  }
0xa8: {  	s5 =	sshll.u32 s28, $0x1;
	[dreg:$0x2] =	wrdreg s3  }
0xa9: {  	[dreg:$0x3] =	wrdreg s5  }
0xaa: {  	[dreg:$0x4] =	wrdreg $0xC0  }
0xab: {  	_ =	task [dreg:s7], $0x5FFFF  }
0xac: {  	[dreg:$0x1] =	wrdreg $0xFFFFFFFF  }
0xad: {  	[dreg:$0x0] =	wrdreg $0x60  }
0xae: {  	[dreg:$0x2] =	wrdreg s2  }
0xaf: {  	[dreg:$0x3] =	wrdreg s24  }
0xb0: {  	[dreg:$0x4] =	wrdreg $0x41000  }
0xb1: {  	[dreg:$0x5] =	wrdreg $0xA  }
0xb2: {  	_ =	task.clear_ibuf [dreg:s7], $0x6FFFF;
	_ =	strace $0x90000046  }
0xb3: {  	s29 =	simm.s32 $0xA;
	_ =	strace $0x80000048  }
0xb4: {  	_ =	swait.ge [sflag:s29], $0x1  }
0xb5: {  	[sflag:s29] =	ssyncadd.s32 $0xFFFFFFFF  }
0xb6: {  	_ =	strace $0x90000048  }
0xb7: {  	_ =	sfence  }
0xb8: {  	s30 =	sld [smem:$0x0];
	_ =	sdelay $0x2  }
0xb9: {  	s31 =	sshll.u32 s1, $0xD;
	s1 =	sshrl.u32 s1, $0x2  }
0xba: {  	s3 =	sand.u32 $0x4000, s31;
	s1 =	sadd.s32 s1, s30  }
0xbb: {  	s0 =	sor.u32 s3, s0;
	s1 =	sshll.u32 s1, $0x11  }
0xbc: {  	s0 =	sor.u32 s1, s0  }
0xbd: {  	s0 =	sadd.s32 $0x8F2B, s0  }
0xbe: {  	[sflag:s0] =	ssyncadd.remote.s32 $0x1  }
0xbf: {  	_ =	sfence.sel $0xFFFF  }
0xc0: {  	[dreg:$0x0] =	wrdreg $0xFFFFFFFF;
	(pc) =	sbr.abs _section_cstart, $3  }
0xc1: {  	[dreg:$0x1] =	wrdreg $0xFFFFFFFF  }
0xc2: {  	_ =	task.clear_ibuf [dreg:s7], $0x2FFFF;
	_ =	strace $0x9FFFFFFF  }
0xc3: {  	(tm) =	ssettm $0x7FFFFFFF  }
tec
execute0_lowered:
.L_overlay_start_1:
0x0: {  	(tag) =	ssettag $0x1  }
0x1: {  	s0 =	rddreg [dreg:$0x0]  }
0x2: {  	s6 =	rddreg [dreg:$0x1]  }
0x3: {  	s1 =	srdreg.scid;
	s2 =	stileid.u32  }
0x4: {  	s3 =	rddreg [dreg:$0x2];
	s4 =	simm.s32 $0x0;
	s8 =	smul.u32 $0x2800, s2  }
0x5: {  	s14 =	simm.s32 $0x100;
	s15 =	simm.s32 $0x1;
	s29 =	smul.u32 $0x50000, s2  }
0x6: {  	s7 =	sand.u32 $0x1, s1;
	s1 =	rddreg [dreg:$0x3];
	s11 =	smul.u32 $0x500, s2  }
0x7: {  	s16 =	simm.s32 $0x0;
	[smem:$0x7FF] =	sst s4;
	s5 =	smul.u32 $0x5000, s7  }
0x8: {  	s31 =	sshll.u32 s2, $0x6;
	s9 =	smul.u32 $0x28000, s7;
	s30 =	ssub.s32 $0x2, s7  }
0x9: {  	_ =	strace $0x80000047;
	s7 =	sshrl.u32 s30, $0x1;
	s10 =	sadd.s32 s5, s6  }
0xa: {  	s8 =	sadd.s32 s8, s9;
	s5 =	sadd.s32 $0x17C00, s6;
	s9 =	sshrl.u32 s29, $0x2  }
0xb: {  	s12 =	ssub.s32 s30, s7;
	s8 =	sadd.s32 s8, s6;
	s13 =	sadd.s32 s9, s3  }
0xc: {  	s6 =	sor.u32 $0x1C02, s31;
	s10 =	sadd.s32 s11, s10;
	s7 =	sadd.s32 $0x1A400, s8  }
0xd: {  	s8 =	smax.u32 s12, $0x1;
	s9 =	sadd.s32 $0xDC00, s10;
	s10 =	sadd.s32 $0x3C00, s10  }
0xe: {  	s11 =	sshrl.u32 s13, $0x3;
	s12 =	simm.s32 $0x2;
	s13 =	simm.s32 $0x80  }
.LBB2_1:
0xf: {  	[spmem:s11], [sflag:s6] =	dma.local [hbm:s5], $0x2800  }
0x10: {  	_ =	swait.ge [sflag:s12], $0x2800  }
0x11: {  	[sflag:s12] =	ssyncset.done $0x0  }
0x12: {  	[sflag:s12] =	ssyncadd.s32 $0xFFFFD800  }
0x13: {  	s17 =	sadd.s32 $0x0, s10;
	[bflag:$0x0] =	sbarrier.arrive $0xFFFF  }
0x14: {  	[tilespmem:s4], [sflag:$0x2] =	stream.linear.gather [hbm4b:s17+s4], $0x80, $0x38;
	[tilespmem:$0x18100] =	vst v63  }
0x15: {  	_ =	swait.ge [sflag:s12], $0x80  }
0x16: {  	[sflag:s12] =	ssyncset.done $0x0  }
0x17: {  	s31 =	sadd.s32 $0x0, s9;
	[sflag:s12] =	ssyncadd.s32 $0xFFFFFF80  }
0x18: {  	[tilespmem:s13], [sflag:$0x2] =	stream.linear.gather [hbm4b:s31+s4], $0x80, $0x38;
	[tilespmem:$0x18100] =	vst v63  }
0x19: {  	_ =	swait.ge [sflag:s12], $0x80  }
0x1a: {  	[sflag:s12] =	ssyncset.done $0x0  }
0x1b: {  	[sflag:s12] =	ssyncadd.s32 $0xFFFFFF80  }
0x1c: {  	[tilespmem:s14], [sflag:$0x1] =	stream.indirect.gather [hbm4b:s0+s13], $0x80, s4, s13, $0xb8;
	[tilespmem:$0x18100] =	vst v63  }
0x1d: {  	_ =	swait.ge [sflag:s15], $0x4000  }
0x1e: {  	[sflag:s15] =	ssyncset.done $0x0  }
0x1f: {  	[sflag:s15] =	ssyncadd.s32 $0xFFFFC000  }
0x20: {  	[spmem:s3] =	stream.indirect.scatter.add.f32 [tilespmem:s14], [sflag:$0x2], $0x80, s13, s13, $0xb8;
	[tilespmem:$0x18100] =	vst v63  }
0x21: {  	_ =	swait.ge [sflag:s12], $0x4000  }
0x22: {  	s18 =	simm.s32 $0x20;
	s17 =	simm.s32 $0x10;
	[sflag:s12] =	ssyncset.done $0x0  }
.LBB2_2:
0x23: {  	s19 =	sadd.s32 s17, s10  }
0x24: {  	[sflag:s12] =	ssyncadd.s32 $0xFFFFC000;
	s20 =	smov.u32 s18;
	s21 =	sadd.s32 $0x10, s18  }
0x25: {  	[tilespmem:s4], [sflag:$0x2] =	stream.linear.gather [hbm4b:s19+s4], $0x80, $0x38;
	[tilespmem:$0x18100] =	vst v63  }
0x26: {  	p0 =	sne.s32 s18, $0x4F0;
	_ =	swait.ge [sflag:s12], $0x80  }
0x27: {  	[sflag:s12] =	ssyncset.done $0x0  }
0x28: {  	s18 =	sadd.s32 s17, s9;
	s17 =	smov.u32 s20;
	[sflag:s12] =	ssyncadd.s32 $0xFFFFFF80  }
0x29: {  	[tilespmem:s13], [sflag:$0x2] =	stream.linear.gather [hbm4b:s18+s4], $0x80, $0x38;
	[tilespmem:$0x18100] =	vst v63  }
0x2a: {  	_ =	swait.ge [sflag:s12], $0x80  }
0x2b: {  	[sflag:s12] =	ssyncset.done $0x0  }
0x2c: {  	[sflag:s12] =	ssyncadd.s32 $0xFFFFFF80  }
0x2d: {  	[tilespmem:s14], [sflag:$0x1] =	stream.indirect.gather [hbm4b:s0+s13], $0x80, s4, s13, $0xb8;
	[tilespmem:$0x18100] =	vst v63  }
0x2e: {  	_ =	swait.ge [sflag:s15], $0x4000  }
.Ltmp0:
0x2f: {  	[sflag:s15] =	ssyncset.done $0x0;
	(pc) =	sbr.rel @p0 .LBB2_2-.Ltmp0, $4  }
0x30: {  	[sflag:s15] =	ssyncadd.s32 $0xFFFFC000  }
0x31: {  	[spmem:s3] =	stream.indirect.scatter.add.f32 [tilespmem:s14], [sflag:$0x2], $0x80, s13, s13, $0xb8;
	[tilespmem:$0x18100] =	vst v63  }
0x32: {  	_ =	swait.ge [sflag:s12], $0x4000  }
0x33: {  	s18 =	smov.u32 s21;
	[sflag:s12] =	ssyncset.done $0x0  }
0x34: {  	s18 =	sadd.s32 s17, s10;
	[sflag:s12] =	ssyncadd.s32 $0xFFFFC000  }
0x35: {  	[tilespmem:s4], [sflag:$0x2] =	stream.linear.gather [hbm4b:s18+s4], $0x80, $0x38;
	[tilespmem:$0x18100] =	vst v63  }
0x36: {  	_ =	swait.ge [sflag:s12], $0x80  }
0x37: {  	[sflag:s12] =	ssyncset.done $0x0  }
0x38: {  	s31 =	sadd.s32 s17, s9;
	[sflag:s12] =	ssyncadd.s32 $0xFFFFFF80  }
0x39: {  	[tilespmem:s13], [sflag:$0x2] =	stream.linear.gather [hbm4b:s31+s4], $0x80, $0x38;
	[tilespmem:$0x18100] =	vst v63  }
0x3a: {  	_ =	swait.ge [sflag:s12], $0x80  }
0x3b: {  	[sflag:s12] =	ssyncset.done $0x0  }
0x3c: {  	[sflag:s12] =	ssyncadd.s32 $0xFFFFFF80  }
0x3d: {  	[tilespmem:s14], [sflag:$0x1] =	stream.indirect.gather [hbm4b:s0+s13], $0x80, s4, s13, $0xb8;
	[tilespmem:$0x18100] =	vst v63  }
0x3e: {  	_ =	swait.ge [sflag:s15], $0x4000  }
0x3f: {  	[sflag:s15] =	ssyncset.done $0x0  }
0x40: {  	[sflag:s15] =	ssyncadd.s32 $0xFFFFC000  }
0x41: {  	[spmem:s3] =	stream.indirect.scatter.add.f32 [tilespmem:s14], [sflag:$0x2], $0x80, s13, s13, $0xb8;
	[tilespmem:$0x18100] =	vst v63  }
0x42: {  	_ =	swait.ge [sflag:s12], $0x4000  }
0x43: {  	s16 =	sadd.s32 $0x1, s16;
	[sflag:s12] =	ssyncset.done $0x0  }
0x44: {  	p0 =	sne.s32 s16, s8;
	[sflag:s12] =	ssyncadd.s32 $0xFFFFC000  }
.Ltmp1:
0x45: {  	[bflag:$0x0] =	sbarrier.arrive $0xFFFF;
	(pc) =	sbr.rel @p0 .LBB2_1-.Ltmp1, $4  }
0x46: {  	[hbm:s7], [sflag:s6] =	dma.local [spmem:s11], $0x2800  }
0x47: {  	_ =	swait.ge [sflag:s12], $0x2800  }
0x48: {  	[sflag:s12] =	ssyncset.done $0x0  }
0x49: {  	[sflag:s12] =	ssyncadd.s32 $0xFFFFD800  }
0x4a: {  	_ =	sfence.sel $0x180000  }
0x4b: {  	[bflag:$0x0] =	sbarrier.arrive $0xFFFF  }
0x4c: {  	p0 =	sne.s32 s2, $0x0;
	_ =	strace $0x90000047  }
0x4d: {  	s0 =	sadd.s32 @!p0 $0x100000, s1;
	[bflag:$0x2] =	sbarrier.arrive $0xFFFF  }
0x4e: {  	[sflag:s0] =	ssyncadd.tile.s32 @!p0 $0x1;
	_ =	shalt  }
.Lfunc_end2:
_tile_overlayer_lowered:
.L_overlay_start_2:
0x4f: {  	(tag) =	ssettag $0x2  }
0x50: {  	s0 =	rddreg [dreg:$0x0];
	s2 =	stileid.u32  }
0x51: {  	s1 =	rddreg [dreg:$0x1];
	p0 =	sne.s32 s2, $0x0  }
0x52: {  	s3 =	rddreg [dreg:$0x2];
	[bflag:$0x3] =	sbarrier.arrive $0xFFFF;
	s2 =	simm.s32 @!p0 $0x1C02  }
0x53: {  	[timem:s3], [sflag:s2] =	dma.local @!p0 [hbm:s0], s1  }
0x54: {  	s0 =	simm.s32 @!p0 $0x2  }
0x55: {  	_ =	swait.ge @!p0 [sflag:s0], s1  }
0x56: {  	s1 =	ssub.s32 @!p0 $0x0, s1;
	[sflag:s0] =	ssyncset.done @!p0 $0x0  }
0x57: {  	[sflag:s0] =	ssyncadd.s32 @!p0 s1  }
0x58: {  	[bflag:$0x3] =	sbarrier.arrive $0xFFFF  }
0x59: {  	_ =	shalt  }

// kernel: kernel.15.cloned.1.call-start
scs
__scs_entry_jumppad:
0x0: {  	(pc) =	sbr.rel $0x88, $3  }
0x1: {  	(tag) =	ssettag $0x0;
	lr =	simm.s32 $0x1  }
0x2: {  	[smem:$0x3F96] =	sst lr;
	_ =	strace $0xD0000000  }
0x3: {  	_ = 	snop  }
0x4: {  	_ = 	snop  }
0x5: {  	_ = 	snop  }
0x6: {  	_ = 	snop  }
0x7: {  	_ = 	snop  }
__scs_overlays_trampoline_lowered:
0x8: {  	[smem:$0x3FA5] =	sst s0  }
0x9: {  	[smem:$0x3FA6] =	sst s1  }
0xa: {  	[smem:$0x3FA7] =	sst s2  }
0xb: {  	[smem:$0x3FA8] =	sst s3  }
0xc: {  	[smem:$0x3FA9] =	sst s4  }
0xd: {  	[smem:$0x3FAA] =	sst s5  }
0xe: {  	[smem:$0x3FAB] =	sst s6  }
0xf: {  	[smem:$0x3FAC] =	sst s7  }
0x10: {  	[smem:$0x3FAD] =	sst s8  }
0x11: {  	[smem:$0x3FAE] =	sst s9;
	s0 =	simm.s32 @!p0 $0x0  }
0x12: {  	s1 =	sld [smem:$0x3F94];
	s0 =	simm.s32 @p0 $0x1  }
0x13: {  	[smem:$0x3FAF] =	sst s0;
	s0 =	simm.s32 @!p1 $0x0  }
0x14: {  	s2 =	sld [smem:$0x3F93];
	s0 =	simm.s32 @p1 $0x1  }
0x15: {  	[smem:$0x3FB0] =	sst s0;
	s0 =	simm.s32 @!p2 $0x0  }
0x16: {  	s3 =	sld [smem:$0x3FDB];
	s0 =	simm.s32 @p2 $0x1  }
0x17: {  	s4 =	simm.s32 $0x1BF5;
	[smem:$0x3FB2] =	sst s0  }
0x18: {  	s0 =	sld [smem:$0x3F95];
	_ =	swait.ge [sflag:s4], $0x0  }
0x19: {  	s7 =	sld [smem:$0x3F96]  }
0x1a: {  	s8 =	sadd.s32 $0xFFFFE003, lr  }
0x1b: {  	s9 =	sadd.s32 $0xFFFFFEF7, lr;
	s5 =	simm.s32 $0xFFFFFFFF;
	p2 =	slt.u32 s8, $0xFFFFF086  }
0x1c: {  	p1 =	slt.u32 s9, $0xF7A;
	s5 =	simm.s32 @!p2 $0x0  }
0x1d: {  	s5 =	simm.s32 @p1 $0x1;
	p0 =	seq.s32 s7, s2  }
0x1e: {  	s7 =	smul.u32 @!p0 $0xF7A, s2;
	p2 =	seq.s32 @!p0 s5, $0x0  }
0x1f: {  	s9 =	smul.u32 $0xF7A, s1;
	s8 =	simm.s32 @!p0 $0x1BF5;
	p2 =	por !p2, p0  }
0x20: {  	[sflag:s8] =	ssyncset.s32 @!p0 $0xFFFFF086;
	s6 =	sadd.s32 @!p0 s3, s7;
	s7 =	simm.s32 @!p0 $0x108  }
0x21: {  	s3 =	sadd.s32 s3, s9;
	s6 =	sadd.s32 @!p0 $0x88, s6;
	s7 =	simm.s32 @p2 $0x1082  }
0x22: {  	[simem:s7], [sflag:s8] =	dma.local @!p0 [hbm:s6], $0xF7A  }
0x23: {  	s9 =	sor.u32 $0xD0000000, s2;
	s6 =	simm.s32 $0x108;
	_ =	swait.ge @!p0 [sflag:s8], $0x0  }
0x24: {  	s3 =	sadd.s32 $0x88, s3;
	s6 =	simm.s32 @!p1 $0x1082;
	[sflag:s4] =	ssyncset.s32 $0xFFFFF086  }
0x25: {  	[simem:s6], [sflag:s4] =	dma.local [hbm:s3], $0xF7A  }
0x26: {  	[smem:$0x3F96] =	sst s1;
	(tag) =	ssettag s2;
	_ =	strace s9  }
0x27: {  	s1 =	sld [smem:$0x3FA6]  }
0x28: {  	s2 =	sld [smem:$0x3FA7]  }
0x29: {  	s4 =	sld [smem:$0x3FA9]  }
0x2a: {  	p0 =	seq.s32 s5, $0x0;
	s5 =	sld [smem:$0x3FAA]  }
0x2b: {  	s6 =	sld [smem:$0x3FAB]  }
0x2c: {  	s7 =	sld [smem:$0x3FAC]  }
0x2d: {  	s3 =	simm.s32 $0x108;
	s8 =	sld [smem:$0x3FAD]  }
0x2e: {  	s3 =	simm.s32 @!p0 $0x1082;
	s9 =	sld [smem:$0x3FAE]  }
0x2f: {  	lr =	sadd.s32 s0, s3;
	s0 =	sld [smem:$0x3FA5]  }
0x30: {  	s3 =	sld [smem:$0x3FA8]  }
0x31: {  	[smem:$0x3FB1] =	sst s10  }
0x32: {  	s10 =	sld [smem:$0x3FAF];
	_ =	sdelay $0x3  }
0x33: {  	p0 =	seq.s32 s10, $0x1;
	s10 =	sld [smem:$0x3FB1];
	_ =	sdelay $0x3  }
0x34: {  	[smem:$0x3FB1] =	sst s10  }
0x35: {  	s10 =	sld [smem:$0x3FB0];
	_ =	sdelay $0x3  }
0x36: {  	p1 =	seq.s32 s10, $0x1;
	s10 =	sld [smem:$0x3FB1];
	_ =	sdelay $0x3  }
0x37: {  	[smem:$0x3FB1] =	sst s10  }
0x38: {  	s10 =	sld [smem:$0x3FB2]  }
0x39: {  	_ = 	snop;
	(pc) =	sbr.ind lr, $3  }
0x3a: {  	_ = 	snop  }
0x3b: {  	_ = 	snop  }
0x3c: {  	p2 =	seq.s32 s10, $0x1;
	s10 =	sld [smem:$0x3FB1]  }
0x3d: {  	_ =	shalt  }
0x3e: {  	_ =	shalt  }
0x3f: {  	_ =	shalt  }
0x40: {  	_ =	shalt  }
0x41: {  	_ =	shalt  }
0x42: {  	_ =	shalt  }
0x43: {  	_ =	shalt  }
0x44: {  	_ =	shalt  }
0x45: {  	_ =	shalt  }
0x46: {  	_ =	shalt  }
0x47: {  	_ =	shalt  }
0x48: {  	_ =	shalt  }
0x49: {  	_ =	shalt  }
0x4a: {  	_ =	shalt  }
0x4b: {  	_ =	shalt  }
0x4c: {  	_ =	shalt  }
0x4d: {  	_ =	shalt  }
0x4e: {  	_ =	shalt  }
0x4f: {  	_ =	shalt  }
0x50: {  	_ =	shalt  }
0x51: {  	_ =	shalt  }
0x52: {  	_ =	shalt  }
0x53: {  	_ =	shalt  }
0x54: {  	_ =	shalt  }
0x55: {  	_ =	shalt  }
0x56: {  	_ =	shalt  }
0x57: {  	_ =	shalt  }
0x58: {  	_ =	shalt  }
0x59: {  	_ =	shalt  }
0x5a: {  	_ =	shalt  }
0x5b: {  	_ =	shalt  }
0x5c: {  	_ =	shalt  }
0x5d: {  	_ =	shalt  }
0x5e: {  	_ =	shalt  }
0x5f: {  	_ =	shalt  }
0x60: {  	_ =	shalt  }
0x61: {  	_ =	shalt  }
0x62: {  	_ =	shalt  }
0x63: {  	_ =	shalt  }
0x64: {  	_ =	shalt  }
0x65: {  	_ =	shalt  }
0x66: {  	_ =	shalt  }
0x67: {  	_ =	shalt  }
0x68: {  	_ =	shalt  }
0x69: {  	_ =	shalt  }
0x6a: {  	_ =	shalt  }
0x6b: {  	_ =	shalt  }
0x6c: {  	_ =	shalt  }
0x6d: {  	_ =	shalt  }
0x6e: {  	_ =	shalt  }
0x6f: {  	_ =	shalt  }
0x70: {  	_ =	shalt  }
0x71: {  	_ =	shalt  }
0x72: {  	_ =	shalt  }
0x73: {  	_ =	shalt  }
0x74: {  	_ =	shalt  }
0x75: {  	_ =	shalt  }
0x76: {  	_ =	shalt  }
0x77: {  	_ =	shalt  }
0x78: {  	_ =	shalt  }
0x79: {  	_ =	shalt  }
0x7a: {  	_ =	shalt  }
0x7b: {  	_ =	shalt  }
0x7c: {  	_ =	shalt  }
0x7d: {  	_ =	shalt  }
0x7e: {  	_ =	shalt  }
0x7f: {  	_ =	shalt  }
0x80: {  	_ =	shalt  }
0x81: {  	_ =	shalt  }
0x82: {  	_ =	shalt  }
0x83: {  	_ =	shalt  }
0x84: {  	_ =	shalt  }
0x85: {  	_ =	shalt  }
0x86: {  	_ =	shalt  }
0x87: {  	_ =	shalt  }
.Lfunc_end0:
.L_simem_size_0:
called_computation.2_lowered:
.L_overlay_start_0:
0x88: {  	s2 =	sld [smem:$0x3FD9]  }
0x89: {  	s3 =	sld [smem:$0x3FFE];
	_ =	sdelay $0x1  }
0x8a: {  	s1 =	srdreg.scid  }
0x8b: {  	s0 =	sand.u32 $0x1, s1  }
0x8c: {  	s17 =	sshll.u32 s0, $0xA;
	s2 =	sadd.s32 s3, s2  }
0x8d: {  	s2 =	sadd.s32 s2, s17  }
0x8e: {  	[smem:$0x3FBD] =	sst s2  }
0x8f: {  	_ = 	snop  }
0x90: {  	s2 =	sld [smem:$0x3FD0];
	(tm) =	ssettm $0x1  }
0x91: {  	s18 =	sld [smem:$0x3FFB];
	_ =	sdelay $0x3  }
0x92: {  	_ =	strace s18  }
0x93: {  	s3 =	sld [smem:$0x3FFC];
	_ =	sdelay $0x3  }
0x94: {  	_ =	strace s3  }
0x95: {  	s3 =	sld [smem:$0x3FFD];
	_ =	sdelay $0x3  }
0x96: {  	_ =	strace s3  }
0x97: {  	_ =	strace $0x8FFFFFFF  }
0x98: {  	s19 =	sld [smem:$0x3FDB];
	_ =	sdelay $0x1  }
0x99: {  	s4 =	simm.s32 $_scs_section_size  }
0x9a: {  	s5 =	simm.s32 $_size__tile_overlayer_lowered;
	s6 =	simm.s32 $_tile_overlayer_lowered  }
0x9b: {  	s22 =	simm.s32 $0x1BFF;
	s21 =	sshll.u32 s6, $0x1;
	s3 =	sadd.s32 s4, s19  }
0x9c: {  	s7 =	simm.s32 $0x0;
	s20 =	sshll.u32 s5, $0x1;
	s5 =	sadd.s32 s21, s3  }
0x9d: {  	[timem:s7], [sflag:s22] =	dma.local [hbm:s5], s20  }
0x9e: {  	_ =	swait.ge [sflag:s22], s20  }
0x9f: {  	s4 =	ssub.s32 $0x0, s20;
	[sflag:s22] =	ssyncset.done $0x0  }
0xa0: {  	[sflag:s22] =	ssyncadd.s32 s4;
	_ =	sdelay $0x1  }
0xa1: {  	s23 =	simm.s32 $0x1B8B  }
0xa2: {  	_ =	swait.ge [sflag:s23], $0x1  }
0xa3: {  	[sflag:s23] =	ssyncset.done $0x0  }
0xa4: {  	s25 =	simm.s32 $0x1B8E;
	s24 =	sld [smem:$0x3FFE];
	[sflag:s23] =	ssyncadd.s32 $0xFFFFFFFF  }
0xa5: {  	s26 =	simm.s32 $execute0_lowered;
	[smem:$0x3FD2] =	sst s25  }
0xa6: {  	s5 =	sshll.u32 s26, $0x1;
	_ =	strace $0x8000004C;
	[dreg:$0x1] =	wrdreg $0xFFFFFFFF  }
0xa7: {  	s28 =	simm.s32 $_size_execute0_lowered;
	s3 =	sadd.s32 s3, s5;
	[dreg:$0x0] =	wrdreg $0x0  }
0xa8: {  	s5 =	sshll.u32 s28, $0x1;
	[dreg:$0x2] =	wrdreg s3  }
0xa9: {  	[dreg:$0x3] =	wrdreg s5  }
0xaa: {  	[dreg:$0x4] =	wrdreg $0xC0  }
0xab: {  	_ =	task [dreg:s7], $0x5FFFF  }
0xac: {  	[dreg:$0x1] =	wrdreg $0xFFFFFFFF  }
0xad: {  	[dreg:$0x0] =	wrdreg $0x60  }
0xae: {  	[dreg:$0x2] =	wrdreg s24  }
0xaf: {  	[dreg:$0x3] =	wrdreg s2  }
0xb0: {  	[dreg:$0x4] =	wrdreg $0x41000  }
0xb1: {  	[dreg:$0x5] =	wrdreg $0x9  }
0xb2: {  	_ =	task.clear_ibuf [dreg:s7], $0x6FFFF;
	_ =	strace $0x9000004C  }
0xb3: {  	s29 =	simm.s32 $0x9;
	_ =	strace $0x8000004E  }
0xb4: {  	_ =	swait.ge [sflag:s29], $0x1  }
0xb5: {  	[sflag:s29] =	ssyncadd.s32 $0xFFFFFFFF  }
0xb6: {  	_ =	strace $0x9000004E  }
0xb7: {  	_ =	sfence  }
0xb8: {  	s30 =	sld [smem:$0x0];
	_ =	sdelay $0x2  }
0xb9: {  	s31 =	sshll.u32 s1, $0xD;
	s1 =	sshrl.u32 s1, $0x2  }
0xba: {  	s3 =	sand.u32 $0x4000, s31;
	s1 =	sadd.s32 s1, s30  }
0xbb: {  	s0 =	sor.u32 s3, s0;
	s1 =	sshll.u32 s1, $0x11  }
0xbc: {  	s0 =	sor.u32 s1, s0  }
0xbd: {  	s0 =	sadd.s32 $0x8F2B, s0  }
0xbe: {  	[sflag:s0] =	ssyncadd.remote.s32 $0x1  }
0xbf: {  	_ =	sfence.sel $0xFFFF  }
0xc0: {  	[dreg:$0x0] =	wrdreg $0xFFFFFFFF;
	(pc) =	sbr.abs _section_cstart, $3  }
0xc1: {  	[dreg:$0x1] =	wrdreg $0xFFFFFFFF  }
0xc2: {  	_ =	task.clear_ibuf [dreg:s7], $0x2FFFF;
	_ =	strace $0x9FFFFFFF  }
0xc3: {  	(tm) =	ssettm $0x7FFFFFFF  }
tec
execute0_lowered:
.L_overlay_start_1:
0x0: {  	(tag) =	ssettag $0x1  }
0x1: {  	s6 =	rddreg [dreg:$0x0]  }
0x2: {  	s9 =	rddreg [dreg:$0x1]  }
0x3: {  	s2 =	rddreg [dreg:$0x2];
	s1 =	stileid.u32  }
0x4: {  	s0 =	rddreg [dreg:$0x3];
	s3 =	simm.s32 $0x0;
	s5 =	smul.u32 $0xA00, s1  }
0x5: {  	s4 =	srdreg.scid;
	s15 =	simm.s32 $0x1;
	s8 =	smul.u32 $0x2800, s1  }
0x6: {  	s16 =	simm.s32 $0x0;
	[smem:$0x7FF] =	sst s3;
	s12 =	smul.u32 $0x50000, s1  }
0x7: {  	s7 =	sand.u32 $0x1, s4;
	s4 =	sadd.s32 $0x90600, s6;
	s14 =	smul.u32 $0x5000, s1  }
0x8: {  	s30 =	sshll.u32 s1, $0x6;
	_ =	strace $0x8000004D;
	s10 =	smul.u32 $0x28000, s7  }
0x9: {  	s13 =	ssub.s32 $0x2, s7;
	s7 =	smul.u32 $0x50000, s7;
	s11 =	sadd.s32 s5, s6  }
0xa: {  	s5 =	sadd.s32 $0x17C00, s6;
	s28 =	sshrl.u32 s13, $0x1;
	s29 =	sshrl.u32 s12, $0x2  }
0xb: {  	s8 =	sadd.s32 s8, s10;
	s10 =	ssub.s32 s13, s28;
	s12 =	sadd.s32 s29, s2  }
0xc: {  	s31 =	sadd.s32 s14, s7;
	s14 =	simm.s32 $0x100;
	s8 =	sadd.s32 s8, s6  }
0xd: {  	s6 =	sor.u32 $0x1C02, s30;
	s13 =	sshrl.u32 s31, $0x3;
	s7 =	sadd.s32 $0xDE800, s8  }
0xe: {  	s8 =	smax.u32 s10, $0x1;
	s9 =	sadd.s32 s13, s9;
	s10 =	sadd.s32 $0xDC00, s11  }
0xf: {  	s11 =	sshrl.u32 s12, $0x3;
	s12 =	simm.s32 $0x2;
	s13 =	simm.s32 $0x80  }
.LBB2_1:
0x10: {  	[spmem:s11], [sflag:s6] =	dma.local [hbm:s5], $0x2800  }
0x11: {  	_ =	swait.ge [sflag:s12], $0x2800  }
0x12: {  	[sflag:s12] =	ssyncset.done $0x0  }
0x13: {  	[sflag:s12] =	ssyncadd.s32 $0xFFFFD800  }
0x14: {  	s17 =	sadd.s32 $0x0, s9;
	[bflag:$0x0] =	sbarrier.arrive $0xFFFF  }
0x15: {  	[tilespmem:s3], [sflag:$0x2] =	stream.linear.gather [hbm4b:s17+s3], $0x80, $0x38;
	[tilespmem:$0x18100] =	vst v63  }
0x16: {  	_ =	swait.ge [sflag:s12], $0x80  }
0x17: {  	[sflag:s12] =	ssyncset.done $0x0  }
0x18: {  	s31 =	sadd.s32 $0x0, s10;
	[sflag:s12] =	ssyncadd.s32 $0xFFFFFF80  }
0x19: {  	[tilespmem:s13], [sflag:$0x2] =	stream.linear.gather [hbm4b:s31+s3], $0x80, $0x38;
	[tilespmem:$0x18100] =	vst v63  }
0x1a: {  	_ =	swait.ge [sflag:s12], $0x80  }
0x1b: {  	[sflag:s12] =	ssyncset.done $0x0  }
0x1c: {  	[sflag:s12] =	ssyncadd.s32 $0xFFFFFF80  }
0x1d: {  	[tilespmem:s14], [sflag:$0x1] =	stream.indirect.gather [hbm4b:s4+s13], $0x80, s3, s13, $0xb8;
	[tilespmem:$0x18100] =	vst v63  }
0x1e: {  	_ =	swait.ge [sflag:s15], $0x4000  }
0x1f: {  	[sflag:s15] =	ssyncset.done $0x0  }
0x20: {  	[sflag:s15] =	ssyncadd.s32 $0xFFFFC000  }
0x21: {  	[spmem:s2] =	stream.indirect.scatter.add.f32 [tilespmem:s14], [sflag:$0x2], $0x80, s13, s13, $0xb8;
	[tilespmem:$0x18100] =	vst v63  }
0x22: {  	_ =	swait.ge [sflag:s12], $0x4000  }
0x23: {  	s18 =	simm.s32 $0x20;
	s17 =	simm.s32 $0x10;
	[sflag:s12] =	ssyncset.done $0x0  }
.LBB2_2:
0x24: {  	s19 =	sadd.s32 s17, s9  }
0x25: {  	[sflag:s12] =	ssyncadd.s32 $0xFFFFC000;
	s20 =	smov.u32 s18;
	s21 =	sadd.s32 $0x10, s18  }
0x26: {  	[tilespmem:s3], [sflag:$0x2] =	stream.linear.gather [hbm4b:s19+s3], $0x80, $0x38;
	[tilespmem:$0x18100] =	vst v63  }
0x27: {  	p0 =	sne.s32 s18, $0x9F0;
	_ =	swait.ge [sflag:s12], $0x80  }
0x28: {  	[sflag:s12] =	ssyncset.done $0x0  }
0x29: {  	s18 =	sadd.s32 s17, s10;
	s17 =	smov.u32 s20;
	[sflag:s12] =	ssyncadd.s32 $0xFFFFFF80  }
0x2a: {  	[tilespmem:s13], [sflag:$0x2] =	stream.linear.gather [hbm4b:s18+s3], $0x80, $0x38;
	[tilespmem:$0x18100] =	vst v63  }
0x2b: {  	_ =	swait.ge [sflag:s12], $0x80  }
0x2c: {  	[sflag:s12] =	ssyncset.done $0x0  }
0x2d: {  	[sflag:s12] =	ssyncadd.s32 $0xFFFFFF80  }
0x2e: {  	[tilespmem:s14], [sflag:$0x1] =	stream.indirect.gather [hbm4b:s4+s13], $0x80, s3, s13, $0xb8;
	[tilespmem:$0x18100] =	vst v63  }
0x2f: {  	_ =	swait.ge [sflag:s15], $0x4000  }
.Ltmp0:
0x30: {  	[sflag:s15] =	ssyncset.done $0x0;
	(pc) =	sbr.rel @p0 .LBB2_2-.Ltmp0, $4  }
0x31: {  	[sflag:s15] =	ssyncadd.s32 $0xFFFFC000  }
0x32: {  	[spmem:s2] =	stream.indirect.scatter.add.f32 [tilespmem:s14], [sflag:$0x2], $0x80, s13, s13, $0xb8;
	[tilespmem:$0x18100] =	vst v63  }
0x33: {  	_ =	swait.ge [sflag:s12], $0x4000  }
0x34: {  	s18 =	smov.u32 s21;
	[sflag:s12] =	ssyncset.done $0x0  }
0x35: {  	s18 =	sadd.s32 s17, s9;
	[sflag:s12] =	ssyncadd.s32 $0xFFFFC000  }
0x36: {  	[tilespmem:s3], [sflag:$0x2] =	stream.linear.gather [hbm4b:s18+s3], $0x80, $0x38;
	[tilespmem:$0x18100] =	vst v63  }
0x37: {  	_ =	swait.ge [sflag:s12], $0x80  }
0x38: {  	[sflag:s12] =	ssyncset.done $0x0  }
0x39: {  	s31 =	sadd.s32 s17, s10;
	[sflag:s12] =	ssyncadd.s32 $0xFFFFFF80  }
0x3a: {  	[tilespmem:s13], [sflag:$0x2] =	stream.linear.gather [hbm4b:s31+s3], $0x80, $0x38;
	[tilespmem:$0x18100] =	vst v63  }
0x3b: {  	_ =	swait.ge [sflag:s12], $0x80  }
0x3c: {  	[sflag:s12] =	ssyncset.done $0x0  }
0x3d: {  	[sflag:s12] =	ssyncadd.s32 $0xFFFFFF80  }
0x3e: {  	[tilespmem:s14], [sflag:$0x1] =	stream.indirect.gather [hbm4b:s4+s13], $0x80, s3, s13, $0xb8;
	[tilespmem:$0x18100] =	vst v63  }
0x3f: {  	_ =	swait.ge [sflag:s15], $0x4000  }
0x40: {  	[sflag:s15] =	ssyncset.done $0x0  }
0x41: {  	[sflag:s15] =	ssyncadd.s32 $0xFFFFC000  }
0x42: {  	[spmem:s2] =	stream.indirect.scatter.add.f32 [tilespmem:s14], [sflag:$0x2], $0x80, s13, s13, $0xb8;
	[tilespmem:$0x18100] =	vst v63  }
0x43: {  	_ =	swait.ge [sflag:s12], $0x4000  }
0x44: {  	s16 =	sadd.s32 $0x1, s16;
	[sflag:s12] =	ssyncset.done $0x0  }
0x45: {  	p0 =	sne.s32 s16, s8;
	[sflag:s12] =	ssyncadd.s32 $0xFFFFC000  }
.Ltmp1:
0x46: {  	[bflag:$0x0] =	sbarrier.arrive $0xFFFF;
	(pc) =	sbr.rel @p0 .LBB2_1-.Ltmp1, $4  }
0x47: {  	[hbm:s7], [sflag:s6] =	dma.local [spmem:s11], $0x2800  }
0x48: {  	_ =	swait.ge [sflag:s12], $0x2800  }
0x49: {  	[sflag:s12] =	ssyncset.done $0x0  }
0x4a: {  	[sflag:s12] =	ssyncadd.s32 $0xFFFFD800  }
0x4b: {  	_ =	sfence.sel $0x180000  }
0x4c: {  	[bflag:$0x0] =	sbarrier.arrive $0xFFFF  }
0x4d: {  	p0 =	sne.s32 s1, $0x0;
	_ =	strace $0x9000004D  }
0x4e: {  	s0 =	sadd.s32 @!p0 $0x100000, s0;
	[bflag:$0x2] =	sbarrier.arrive $0xFFFF  }
0x4f: {  	[sflag:s0] =	ssyncadd.tile.s32 @!p0 $0x1;
	_ =	shalt  }
.Lfunc_end2:
_tile_overlayer_lowered:
.L_overlay_start_2:
0x50: {  	(tag) =	ssettag $0x2  }
0x51: {  	s0 =	rddreg [dreg:$0x0];
	s2 =	stileid.u32  }
0x52: {  	s1 =	rddreg [dreg:$0x1];
	p0 =	sne.s32 s2, $0x0  }
0x53: {  	s3 =	rddreg [dreg:$0x2];
	[bflag:$0x3] =	sbarrier.arrive $0xFFFF;
	s2 =	simm.s32 @!p0 $0x1C02  }
0x54: {  	[timem:s3], [sflag:s2] =	dma.local @!p0 [hbm:s0], s1  }
0x55: {  	s0 =	simm.s32 @!p0 $0x2  }
0x56: {  	_ =	swait.ge @!p0 [sflag:s0], s1  }
0x57: {  	s1 =	ssub.s32 @!p0 $0x0, s1;
	[sflag:s0] =	ssyncset.done @!p0 $0x0  }
0x58: {  	[sflag:s0] =	ssyncadd.s32 @!p0 s1  }
0x59: {  	[bflag:$0x3] =	sbarrier.arrive $0xFFFF  }
0x5a: {  	_ =	shalt  }

// kernel: kernel.18.cloned.1.call-start
scs
__scs_entry_jumppad:
0x0: {  	(pc) =	sbr.rel $0x88, $3  }
0x1: {  	(tag) =	ssettag $0x0;
	lr =	simm.s32 $0x1  }
0x2: {  	[smem:$0x3F96] =	sst lr;
	_ =	strace $0xD0000000  }
0x3: {  	_ = 	snop  }
0x4: {  	_ = 	snop  }
0x5: {  	_ = 	snop  }
0x6: {  	_ = 	snop  }
0x7: {  	_ = 	snop  }
__scs_overlays_trampoline_lowered:
0x8: {  	[smem:$0x3FA5] =	sst s0  }
0x9: {  	[smem:$0x3FA6] =	sst s1  }
0xa: {  	[smem:$0x3FA7] =	sst s2  }
0xb: {  	[smem:$0x3FA8] =	sst s3  }
0xc: {  	[smem:$0x3FA9] =	sst s4  }
0xd: {  	[smem:$0x3FAA] =	sst s5  }
0xe: {  	[smem:$0x3FAB] =	sst s6  }
0xf: {  	[smem:$0x3FAC] =	sst s7  }
0x10: {  	[smem:$0x3FAD] =	sst s8  }
0x11: {  	[smem:$0x3FAE] =	sst s9;
	s0 =	simm.s32 @!p0 $0x0  }
0x12: {  	s1 =	sld [smem:$0x3F94];
	s0 =	simm.s32 @p0 $0x1  }
0x13: {  	[smem:$0x3FAF] =	sst s0;
	s0 =	simm.s32 @!p1 $0x0  }
0x14: {  	s2 =	sld [smem:$0x3F93];
	s0 =	simm.s32 @p1 $0x1  }
0x15: {  	[smem:$0x3FB0] =	sst s0;
	s0 =	simm.s32 @!p2 $0x0  }
0x16: {  	s3 =	sld [smem:$0x3FDB];
	s0 =	simm.s32 @p2 $0x1  }
0x17: {  	s4 =	simm.s32 $0x1BF5;
	[smem:$0x3FB2] =	sst s0  }
0x18: {  	s0 =	sld [smem:$0x3F95];
	_ =	swait.ge [sflag:s4], $0x0  }
0x19: {  	s7 =	sld [smem:$0x3F96]  }
0x1a: {  	s8 =	sadd.s32 $0xFFFFE003, lr  }
0x1b: {  	s9 =	sadd.s32 $0xFFFFFEF7, lr;
	s5 =	simm.s32 $0xFFFFFFFF;
	p2 =	slt.u32 s8, $0xFFFFF086  }
0x1c: {  	p1 =	slt.u32 s9, $0xF7A;
	s5 =	simm.s32 @!p2 $0x0  }
0x1d: {  	s5 =	simm.s32 @p1 $0x1;
	p0 =	seq.s32 s7, s2  }
0x1e: {  	s7 =	smul.u32 @!p0 $0xF7A, s2;
	p2 =	seq.s32 @!p0 s5, $0x0  }
0x1f: {  	s9 =	smul.u32 $0xF7A, s1;
	s8 =	simm.s32 @!p0 $0x1BF5;
	p2 =	por !p2, p0  }
0x20: {  	[sflag:s8] =	ssyncset.s32 @!p0 $0xFFFFF086;
	s6 =	sadd.s32 @!p0 s3, s7;
	s7 =	simm.s32 @!p0 $0x108  }
0x21: {  	s3 =	sadd.s32 s3, s9;
	s6 =	sadd.s32 @!p0 $0x88, s6;
	s7 =	simm.s32 @p2 $0x1082  }
0x22: {  	[simem:s7], [sflag:s8] =	dma.local @!p0 [hbm:s6], $0xF7A  }
0x23: {  	s9 =	sor.u32 $0xD0000000, s2;
	s6 =	simm.s32 $0x108;
	_ =	swait.ge @!p0 [sflag:s8], $0x0  }
0x24: {  	s3 =	sadd.s32 $0x88, s3;
	s6 =	simm.s32 @!p1 $0x1082;
	[sflag:s4] =	ssyncset.s32 $0xFFFFF086  }
0x25: {  	[simem:s6], [sflag:s4] =	dma.local [hbm:s3], $0xF7A  }
0x26: {  	[smem:$0x3F96] =	sst s1;
	(tag) =	ssettag s2;
	_ =	strace s9  }
0x27: {  	s1 =	sld [smem:$0x3FA6]  }
0x28: {  	s2 =	sld [smem:$0x3FA7]  }
0x29: {  	s4 =	sld [smem:$0x3FA9]  }
0x2a: {  	p0 =	seq.s32 s5, $0x0;
	s5 =	sld [smem:$0x3FAA]  }
0x2b: {  	s6 =	sld [smem:$0x3FAB]  }
0x2c: {  	s7 =	sld [smem:$0x3FAC]  }
0x2d: {  	s3 =	simm.s32 $0x108;
	s8 =	sld [smem:$0x3FAD]  }
0x2e: {  	s3 =	simm.s32 @!p0 $0x1082;
	s9 =	sld [smem:$0x3FAE]  }
0x2f: {  	lr =	sadd.s32 s0, s3;
	s0 =	sld [smem:$0x3FA5]  }
0x30: {  	s3 =	sld [smem:$0x3FA8]  }
0x31: {  	[smem:$0x3FB1] =	sst s10  }
0x32: {  	s10 =	sld [smem:$0x3FAF];
	_ =	sdelay $0x3  }
0x33: {  	p0 =	seq.s32 s10, $0x1;
	s10 =	sld [smem:$0x3FB1];
	_ =	sdelay $0x3  }
0x34: {  	[smem:$0x3FB1] =	sst s10  }
0x35: {  	s10 =	sld [smem:$0x3FB0];
	_ =	sdelay $0x3  }
0x36: {  	p1 =	seq.s32 s10, $0x1;
	s10 =	sld [smem:$0x3FB1];
	_ =	sdelay $0x3  }
0x37: {  	[smem:$0x3FB1] =	sst s10  }
0x38: {  	s10 =	sld [smem:$0x3FB2]  }
0x39: {  	_ = 	snop;
	(pc) =	sbr.ind lr, $3  }
0x3a: {  	_ = 	snop  }
0x3b: {  	_ = 	snop  }
0x3c: {  	p2 =	seq.s32 s10, $0x1;
	s10 =	sld [smem:$0x3FB1]  }
0x3d: {  	_ =	shalt  }
0x3e: {  	_ =	shalt  }
0x3f: {  	_ =	shalt  }
0x40: {  	_ =	shalt  }
0x41: {  	_ =	shalt  }
0x42: {  	_ =	shalt  }
0x43: {  	_ =	shalt  }
0x44: {  	_ =	shalt  }
0x45: {  	_ =	shalt  }
0x46: {  	_ =	shalt  }
0x47: {  	_ =	shalt  }
0x48: {  	_ =	shalt  }
0x49: {  	_ =	shalt  }
0x4a: {  	_ =	shalt  }
0x4b: {  	_ =	shalt  }
0x4c: {  	_ =	shalt  }
0x4d: {  	_ =	shalt  }
0x4e: {  	_ =	shalt  }
0x4f: {  	_ =	shalt  }
0x50: {  	_ =	shalt  }
0x51: {  	_ =	shalt  }
0x52: {  	_ =	shalt  }
0x53: {  	_ =	shalt  }
0x54: {  	_ =	shalt  }
0x55: {  	_ =	shalt  }
0x56: {  	_ =	shalt  }
0x57: {  	_ =	shalt  }
0x58: {  	_ =	shalt  }
0x59: {  	_ =	shalt  }
0x5a: {  	_ =	shalt  }
0x5b: {  	_ =	shalt  }
0x5c: {  	_ =	shalt  }
0x5d: {  	_ =	shalt  }
0x5e: {  	_ =	shalt  }
0x5f: {  	_ =	shalt  }
0x60: {  	_ =	shalt  }
0x61: {  	_ =	shalt  }
0x62: {  	_ =	shalt  }
0x63: {  	_ =	shalt  }
0x64: {  	_ =	shalt  }
0x65: {  	_ =	shalt  }
0x66: {  	_ =	shalt  }
0x67: {  	_ =	shalt  }
0x68: {  	_ =	shalt  }
0x69: {  	_ =	shalt  }
0x6a: {  	_ =	shalt  }
0x6b: {  	_ =	shalt  }
0x6c: {  	_ =	shalt  }
0x6d: {  	_ =	shalt  }
0x6e: {  	_ =	shalt  }
0x6f: {  	_ =	shalt  }
0x70: {  	_ =	shalt  }
0x71: {  	_ =	shalt  }
0x72: {  	_ =	shalt  }
0x73: {  	_ =	shalt  }
0x74: {  	_ =	shalt  }
0x75: {  	_ =	shalt  }
0x76: {  	_ =	shalt  }
0x77: {  	_ =	shalt  }
0x78: {  	_ =	shalt  }
0x79: {  	_ =	shalt  }
0x7a: {  	_ =	shalt  }
0x7b: {  	_ =	shalt  }
0x7c: {  	_ =	shalt  }
0x7d: {  	_ =	shalt  }
0x7e: {  	_ =	shalt  }
0x7f: {  	_ =	shalt  }
0x80: {  	_ =	shalt  }
0x81: {  	_ =	shalt  }
0x82: {  	_ =	shalt  }
0x83: {  	_ =	shalt  }
0x84: {  	_ =	shalt  }
0x85: {  	_ =	shalt  }
0x86: {  	_ =	shalt  }
0x87: {  	_ =	shalt  }
.Lfunc_end0:
.L_simem_size_0:
called_computation.3_lowered:
.L_overlay_start_0:
0x88: {  	s2 =	sld [smem:$0x3FD9]  }
0x89: {  	s3 =	sld [smem:$0x3FFE];
	_ =	sdelay $0x1  }
0x8a: {  	s1 =	srdreg.scid  }
0x8b: {  	s0 =	sand.u32 $0x1, s1  }
0x8c: {  	s17 =	sshll.u32 s0, $0xA;
	s2 =	sadd.s32 s3, s2  }
0x8d: {  	s2 =	sadd.s32 s2, s17  }
0x8e: {  	[smem:$0x3FBD] =	sst s2  }
0x8f: {  	_ = 	snop  }
0x90: {  	s2 =	sld [smem:$0x3FD0];
	(tm) =	ssettm $0x1  }
0x91: {  	s18 =	sld [smem:$0x3FFB];
	_ =	sdelay $0x3  }
0x92: {  	_ =	strace s18  }
0x93: {  	s3 =	sld [smem:$0x3FFC];
	_ =	sdelay $0x3  }
0x94: {  	_ =	strace s3  }
0x95: {  	s3 =	sld [smem:$0x3FFD];
	_ =	sdelay $0x3  }
0x96: {  	_ =	strace s3  }
0x97: {  	_ =	strace $0x8FFFFFFF  }
0x98: {  	s19 =	sld [smem:$0x3FDB];
	_ =	sdelay $0x1  }
0x99: {  	s4 =	simm.s32 $_scs_section_size  }
0x9a: {  	s5 =	simm.s32 $_size__tile_overlayer_lowered;
	s6 =	simm.s32 $_tile_overlayer_lowered  }
0x9b: {  	s22 =	simm.s32 $0x1BFF;
	s21 =	sshll.u32 s6, $0x1;
	s3 =	sadd.s32 s4, s19  }
0x9c: {  	s7 =	simm.s32 $0x0;
	s20 =	sshll.u32 s5, $0x1;
	s5 =	sadd.s32 s21, s3  }
0x9d: {  	[timem:s7], [sflag:s22] =	dma.local [hbm:s5], s20  }
0x9e: {  	_ =	swait.ge [sflag:s22], s20  }
0x9f: {  	s4 =	ssub.s32 $0x0, s20;
	[sflag:s22] =	ssyncset.done $0x0  }
0xa0: {  	[sflag:s22] =	ssyncadd.s32 s4;
	_ =	sdelay $0x1  }
0xa1: {  	s23 =	simm.s32 $0x1B8B  }
0xa2: {  	_ =	swait.ge [sflag:s23], $0x1  }
0xa3: {  	[sflag:s23] =	ssyncset.done $0x0  }
0xa4: {  	s25 =	simm.s32 $0x1B8E;
	s24 =	sld [smem:$0x3FFE];
	[sflag:s23] =	ssyncadd.s32 $0xFFFFFFFF  }
0xa5: {  	s26 =	simm.s32 $execute0_lowered;
	[smem:$0x3FD2] =	sst s25  }
0xa6: {  	s5 =	sshll.u32 s26, $0x1;
	_ =	strace $0x8000004F;
	[dreg:$0x1] =	wrdreg $0xFFFFFFFF  }
0xa7: {  	s28 =	simm.s32 $_size_execute0_lowered;
	s3 =	sadd.s32 s3, s5;
	[dreg:$0x0] =	wrdreg $0x0  }
0xa8: {  	s5 =	sshll.u32 s28, $0x1;
	[dreg:$0x2] =	wrdreg s3  }
0xa9: {  	[dreg:$0x3] =	wrdreg s5  }
0xaa: {  	[dreg:$0x4] =	wrdreg $0xC0  }
0xab: {  	_ =	task [dreg:s7], $0x5FFFF  }
0xac: {  	[dreg:$0x1] =	wrdreg $0xFFFFFFFF  }
0xad: {  	[dreg:$0x0] =	wrdreg $0x60  }
0xae: {  	[dreg:$0x2] =	wrdreg s2  }
0xaf: {  	[dreg:$0x3] =	wrdreg s24  }
0xb0: {  	[dreg:$0x4] =	wrdreg $0x41000  }
0xb1: {  	[dreg:$0x5] =	wrdreg $0x9  }
0xb2: {  	_ =	task.clear_ibuf [dreg:s7], $0x6FFFF;
	_ =	strace $0x9000004F  }
0xb3: {  	s29 =	simm.s32 $0x9;
	_ =	strace $0x80000051  }
0xb4: {  	_ =	swait.ge [sflag:s29], $0x1  }
0xb5: {  	[sflag:s29] =	ssyncadd.s32 $0xFFFFFFFF  }
0xb6: {  	_ =	strace $0x90000051  }
0xb7: {  	_ =	sfence  }
0xb8: {  	s30 =	sld [smem:$0x0];
	_ =	sdelay $0x2  }
0xb9: {  	s31 =	sshll.u32 s1, $0xD;
	s1 =	sshrl.u32 s1, $0x2  }
0xba: {  	s3 =	sand.u32 $0x4000, s31;
	s1 =	sadd.s32 s1, s30  }
0xbb: {  	s0 =	sor.u32 s3, s0;
	s1 =	sshll.u32 s1, $0x11  }
0xbc: {  	s0 =	sor.u32 s1, s0  }
0xbd: {  	s0 =	sadd.s32 $0x8F2B, s0  }
0xbe: {  	[sflag:s0] =	ssyncadd.remote.s32 $0x1  }
0xbf: {  	_ =	sfence.sel $0xFFFF  }
0xc0: {  	[dreg:$0x0] =	wrdreg $0xFFFFFFFF;
	(pc) =	sbr.abs _section_cstart, $3  }
0xc1: {  	[dreg:$0x1] =	wrdreg $0xFFFFFFFF  }
0xc2: {  	_ =	task.clear_ibuf [dreg:s7], $0x2FFFF;
	_ =	strace $0x9FFFFFFF  }
0xc3: {  	(tm) =	ssettm $0x7FFFFFFF  }
tec
execute0_lowered:
.L_overlay_start_1:
0x0: {  	(tag) =	ssettag $0x1  }
0x1: {  	s0 =	rddreg [dreg:$0x0]  }
0x2: {  	s6 =	rddreg [dreg:$0x1]  }
0x3: {  	s1 =	srdreg.scid;
	s2 =	stileid.u32  }
0x4: {  	s3 =	rddreg [dreg:$0x2];
	s4 =	simm.s32 $0x0;
	s8 =	smul.u32 $0x2800, s2  }
0x5: {  	s14 =	simm.s32 $0x100;
	s15 =	simm.s32 $0x1;
	s29 =	smul.u32 $0x50000, s2  }
0x6: {  	s7 =	sand.u32 $0x1, s1;
	s1 =	rddreg [dreg:$0x3];
	s11 =	smul.u32 $0x500, s2  }
0x7: {  	s16 =	simm.s32 $0x0;
	[smem:$0x7FF] =	sst s4;
	s5 =	smul.u32 $0x5000, s7  }
0x8: {  	s31 =	sshll.u32 s2, $0x6;
	s9 =	smul.u32 $0x28000, s7;
	s30 =	ssub.s32 $0x2, s7  }
0x9: {  	_ =	strace $0x80000050;
	s7 =	sshrl.u32 s30, $0x1;
	s10 =	sadd.s32 s5, s6  }
0xa: {  	s8 =	sadd.s32 s8, s9;
	s5 =	sadd.s32 $0x17C00, s6;
	s9 =	sshrl.u32 s29, $0x2  }
0xb: {  	s12 =	ssub.s32 s30, s7;
	s8 =	sadd.s32 s8, s6;
	s13 =	sadd.s32 s9, s3  }
0xc: {  	s6 =	sor.u32 $0x1C02, s31;
	s10 =	sadd.s32 s11, s10;
	s7 =	sadd.s32 $0xDE800, s8  }
0xd: {  	s8 =	smax.u32 s12, $0x1;
	s9 =	sadd.s32 $0xDC00, s10;
	s10 =	sadd.s32 $0x3C00, s10  }
0xe: {  	s11 =	sshrl.u32 s13, $0x3;
	s12 =	simm.s32 $0x2;
	s13 =	simm.s32 $0x80  }
.LBB2_1:
0xf: {  	[spmem:s11], [sflag:s6] =	dma.local [hbm:s5], $0x2800  }
0x10: {  	_ =	swait.ge [sflag:s12], $0x2800  }
0x11: {  	[sflag:s12] =	ssyncset.done $0x0  }
0x12: {  	[sflag:s12] =	ssyncadd.s32 $0xFFFFD800  }
0x13: {  	s17 =	sadd.s32 $0x0, s10;
	[bflag:$0x0] =	sbarrier.arrive $0xFFFF  }
0x14: {  	[tilespmem:s4], [sflag:$0x2] =	stream.linear.gather [hbm4b:s17+s4], $0x80, $0x38;
	[tilespmem:$0x18100] =	vst v63  }
0x15: {  	_ =	swait.ge [sflag:s12], $0x80  }
0x16: {  	[sflag:s12] =	ssyncset.done $0x0  }
0x17: {  	s31 =	sadd.s32 $0x0, s9;
	[sflag:s12] =	ssyncadd.s32 $0xFFFFFF80  }
0x18: {  	[tilespmem:s13], [sflag:$0x2] =	stream.linear.gather [hbm4b:s31+s4], $0x80, $0x38;
	[tilespmem:$0x18100] =	vst v63  }
0x19: {  	_ =	swait.ge [sflag:s12], $0x80  }
0x1a: {  	[sflag:s12] =	ssyncset.done $0x0  }
0x1b: {  	[sflag:s12] =	ssyncadd.s32 $0xFFFFFF80  }
0x1c: {  	[tilespmem:s14], [sflag:$0x1] =	stream.indirect.gather [hbm4b:s0+s13], $0x80, s4, s13, $0xb8;
	[tilespmem:$0x18100] =	vst v63  }
0x1d: {  	_ =	swait.ge [sflag:s15], $0x4000  }
0x1e: {  	[sflag:s15] =	ssyncset.done $0x0  }
0x1f: {  	[sflag:s15] =	ssyncadd.s32 $0xFFFFC000  }
0x20: {  	[spmem:s3] =	stream.indirect.scatter.add.f32 [tilespmem:s14], [sflag:$0x2], $0x80, s13, s13, $0xb8;
	[tilespmem:$0x18100] =	vst v63  }
0x21: {  	_ =	swait.ge [sflag:s12], $0x4000  }
0x22: {  	s18 =	simm.s32 $0x20;
	s17 =	simm.s32 $0x10;
	[sflag:s12] =	ssyncset.done $0x0  }
.LBB2_2:
0x23: {  	s19 =	sadd.s32 s17, s10  }
0x24: {  	[sflag:s12] =	ssyncadd.s32 $0xFFFFC000;
	s20 =	smov.u32 s18;
	s21 =	sadd.s32 $0x10, s18  }
0x25: {  	[tilespmem:s4], [sflag:$0x2] =	stream.linear.gather [hbm4b:s19+s4], $0x80, $0x38;
	[tilespmem:$0x18100] =	vst v63  }
0x26: {  	p0 =	sne.s32 s18, $0x4F0;
	_ =	swait.ge [sflag:s12], $0x80  }
0x27: {  	[sflag:s12] =	ssyncset.done $0x0  }
0x28: {  	s18 =	sadd.s32 s17, s9;
	s17 =	smov.u32 s20;
	[sflag:s12] =	ssyncadd.s32 $0xFFFFFF80  }
0x29: {  	[tilespmem:s13], [sflag:$0x2] =	stream.linear.gather [hbm4b:s18+s4], $0x80, $0x38;
	[tilespmem:$0x18100] =	vst v63  }
0x2a: {  	_ =	swait.ge [sflag:s12], $0x80  }
0x2b: {  	[sflag:s12] =	ssyncset.done $0x0  }
0x2c: {  	[sflag:s12] =	ssyncadd.s32 $0xFFFFFF80  }
0x2d: {  	[tilespmem:s14], [sflag:$0x1] =	stream.indirect.gather [hbm4b:s0+s13], $0x80, s4, s13, $0xb8;
	[tilespmem:$0x18100] =	vst v63  }
0x2e: {  	_ =	swait.ge [sflag:s15], $0x4000  }
.Ltmp0:
0x2f: {  	[sflag:s15] =	ssyncset.done $0x0;
	(pc) =	sbr.rel @p0 .LBB2_2-.Ltmp0, $4  }
0x30: {  	[sflag:s15] =	ssyncadd.s32 $0xFFFFC000  }
0x31: {  	[spmem:s3] =	stream.indirect.scatter.add.f32 [tilespmem:s14], [sflag:$0x2], $0x80, s13, s13, $0xb8;
	[tilespmem:$0x18100] =	vst v63  }
0x32: {  	_ =	swait.ge [sflag:s12], $0x4000  }
0x33: {  	s18 =	smov.u32 s21;
	[sflag:s12] =	ssyncset.done $0x0  }
0x34: {  	s18 =	sadd.s32 s17, s10;
	[sflag:s12] =	ssyncadd.s32 $0xFFFFC000  }
0x35: {  	[tilespmem:s4], [sflag:$0x2] =	stream.linear.gather [hbm4b:s18+s4], $0x80, $0x38;
	[tilespmem:$0x18100] =	vst v63  }
0x36: {  	_ =	swait.ge [sflag:s12], $0x80  }
0x37: {  	[sflag:s12] =	ssyncset.done $0x0  }
0x38: {  	s31 =	sadd.s32 s17, s9;
	[sflag:s12] =	ssyncadd.s32 $0xFFFFFF80  }
0x39: {  	[tilespmem:s13], [sflag:$0x2] =	stream.linear.gather [hbm4b:s31+s4], $0x80, $0x38;
	[tilespmem:$0x18100] =	vst v63  }
0x3a: {  	_ =	swait.ge [sflag:s12], $0x80  }
0x3b: {  	[sflag:s12] =	ssyncset.done $0x0  }
0x3c: {  	[sflag:s12] =	ssyncadd.s32 $0xFFFFFF80  }
0x3d: {  	[tilespmem:s14], [sflag:$0x1] =	stream.indirect.gather [hbm4b:s0+s13], $0x80, s4, s13, $0xb8;
	[tilespmem:$0x18100] =	vst v63  }
0x3e: {  	_ =	swait.ge [sflag:s15], $0x4000  }
0x3f: {  	[sflag:s15] =	ssyncset.done $0x0  }
0x40: {  	[sflag:s15] =	ssyncadd.s32 $0xFFFFC000  }
0x41: {  	[spmem:s3] =	stream.indirect.scatter.add.f32 [tilespmem:s14], [sflag:$0x2], $0x80, s13, s13, $0xb8;
	[tilespmem:$0x18100] =	vst v63  }
0x42: {  	_ =	swait.ge [sflag:s12], $0x4000  }
0x43: {  	s16 =	sadd.s32 $0x1, s16;
	[sflag:s12] =	ssyncset.done $0x0  }
0x44: {  	p0 =	sne.s32 s16, s8;
	[sflag:s12] =	ssyncadd.s32 $0xFFFFC000  }
.Ltmp1:
0x45: {  	[bflag:$0x0] =	sbarrier.arrive $0xFFFF;
	(pc) =	sbr.rel @p0 .LBB2_1-.Ltmp1, $4  }
0x46: {  	[hbm:s7], [sflag:s6] =	dma.local [spmem:s11], $0x2800  }
0x47: {  	_ =	swait.ge [sflag:s12], $0x2800  }
0x48: {  	[sflag:s12] =	ssyncset.done $0x0  }
0x49: {  	[sflag:s12] =	ssyncadd.s32 $0xFFFFD800  }
0x4a: {  	_ =	sfence.sel $0x180000  }
0x4b: {  	[bflag:$0x0] =	sbarrier.arrive $0xFFFF  }
0x4c: {  	p0 =	sne.s32 s2, $0x0;
	_ =	strace $0x90000050  }
0x4d: {  	s0 =	sadd.s32 @!p0 $0x100000, s1;
	[bflag:$0x2] =	sbarrier.arrive $0xFFFF  }
0x4e: {  	[sflag:s0] =	ssyncadd.tile.s32 @!p0 $0x1;
	_ =	shalt  }
.Lfunc_end2:
_tile_overlayer_lowered:
.L_overlay_start_2:
0x4f: {  	(tag) =	ssettag $0x2  }
0x50: {  	s0 =	rddreg [dreg:$0x0];
	s2 =	stileid.u32  }
0x51: {  	s1 =	rddreg [dreg:$0x1];
	p0 =	sne.s32 s2, $0x0  }
0x52: {  	s3 =	rddreg [dreg:$0x2];
	[bflag:$0x3] =	sbarrier.arrive $0xFFFF;
	s2 =	simm.s32 @!p0 $0x1C02  }
0x53: {  	[timem:s3], [sflag:s2] =	dma.local @!p0 [hbm:s0], s1  }
0x54: {  	s0 =	simm.s32 @!p0 $0x2  }
0x55: {  	_ =	swait.ge @!p0 [sflag:s0], s1  }
0x56: {  	s1 =	ssub.s32 @!p0 $0x0, s1;
	[sflag:s0] =	ssyncset.done @!p0 $0x0  }
0x57: {  	[sflag:s0] =	ssyncadd.s32 @!p0 s1  }
0x58: {  	[bflag:$0x3] =	sbarrier.arrive $0xFFFF  }
0x59: {  	_ =	shalt  }

// kernel: kernel.9.cloned.1.call-start
scs
__scs_entry_jumppad:
0x0: {  	(pc) =	sbr.rel $0x88, $3  }
0x1: {  	(tag) =	ssettag $0x0;
	lr =	simm.s32 $0x1  }
0x2: {  	[smem:$0x3F96] =	sst lr;
	_ =	strace $0xD0000000  }
0x3: {  	_ = 	snop  }
0x4: {  	_ = 	snop  }
0x5: {  	_ = 	snop  }
0x6: {  	_ = 	snop  }
0x7: {  	_ = 	snop  }
__scs_overlays_trampoline_lowered:
0x8: {  	[smem:$0x3FA5] =	sst s0  }
0x9: {  	[smem:$0x3FA6] =	sst s1  }
0xa: {  	[smem:$0x3FA7] =	sst s2  }
0xb: {  	[smem:$0x3FA8] =	sst s3  }
0xc: {  	[smem:$0x3FA9] =	sst s4  }
0xd: {  	[smem:$0x3FAA] =	sst s5  }
0xe: {  	[smem:$0x3FAB] =	sst s6  }
0xf: {  	[smem:$0x3FAC] =	sst s7  }
0x10: {  	[smem:$0x3FAD] =	sst s8  }
0x11: {  	[smem:$0x3FAE] =	sst s9;
	s0 =	simm.s32 @!p0 $0x0  }
0x12: {  	s1 =	sld [smem:$0x3F94];
	s0 =	simm.s32 @p0 $0x1  }
0x13: {  	[smem:$0x3FAF] =	sst s0;
	s0 =	simm.s32 @!p1 $0x0  }
0x14: {  	s2 =	sld [smem:$0x3F93];
	s0 =	simm.s32 @p1 $0x1  }
0x15: {  	[smem:$0x3FB0] =	sst s0;
	s0 =	simm.s32 @!p2 $0x0  }
0x16: {  	s3 =	sld [smem:$0x3FDB];
	s0 =	simm.s32 @p2 $0x1  }
0x17: {  	s4 =	simm.s32 $0x1BF5;
	[smem:$0x3FB2] =	sst s0  }
0x18: {  	s0 =	sld [smem:$0x3F95];
	_ =	swait.ge [sflag:s4], $0x0  }
0x19: {  	s7 =	sld [smem:$0x3F96]  }
0x1a: {  	s8 =	sadd.s32 $0xFFFFE003, lr  }
0x1b: {  	s9 =	sadd.s32 $0xFFFFFEF7, lr;
	s5 =	simm.s32 $0xFFFFFFFF;
	p2 =	slt.u32 s8, $0xFFFFF086  }
0x1c: {  	p1 =	slt.u32 s9, $0xF7A;
	s5 =	simm.s32 @!p2 $0x0  }
0x1d: {  	s5 =	simm.s32 @p1 $0x1;
	p0 =	seq.s32 s7, s2  }
0x1e: {  	s7 =	smul.u32 @!p0 $0xF7A, s2;
	p2 =	seq.s32 @!p0 s5, $0x0  }
0x1f: {  	s9 =	smul.u32 $0xF7A, s1;
	s8 =	simm.s32 @!p0 $0x1BF5;
	p2 =	por !p2, p0  }
0x20: {  	[sflag:s8] =	ssyncset.s32 @!p0 $0xFFFFF086;
	s6 =	sadd.s32 @!p0 s3, s7;
	s7 =	simm.s32 @!p0 $0x108  }
0x21: {  	s3 =	sadd.s32 s3, s9;
	s6 =	sadd.s32 @!p0 $0x88, s6;
	s7 =	simm.s32 @p2 $0x1082  }
0x22: {  	[simem:s7], [sflag:s8] =	dma.local @!p0 [hbm:s6], $0xF7A  }
0x23: {  	s9 =	sor.u32 $0xD0000000, s2;
	s6 =	simm.s32 $0x108;
	_ =	swait.ge @!p0 [sflag:s8], $0x0  }
0x24: {  	s3 =	sadd.s32 $0x88, s3;
	s6 =	simm.s32 @!p1 $0x1082;
	[sflag:s4] =	ssyncset.s32 $0xFFFFF086  }
0x25: {  	[simem:s6], [sflag:s4] =	dma.local [hbm:s3], $0xF7A  }
0x26: {  	[smem:$0x3F96] =	sst s1;
	(tag) =	ssettag s2;
	_ =	strace s9  }
0x27: {  	s1 =	sld [smem:$0x3FA6]  }
0x28: {  	s2 =	sld [smem:$0x3FA7]  }
0x29: {  	s4 =	sld [smem:$0x3FA9]  }
0x2a: {  	p0 =	seq.s32 s5, $0x0;
	s5 =	sld [smem:$0x3FAA]  }
0x2b: {  	s6 =	sld [smem:$0x3FAB]  }
0x2c: {  	s7 =	sld [smem:$0x3FAC]  }
0x2d: {  	s3 =	simm.s32 $0x108;
	s8 =	sld [smem:$0x3FAD]  }
0x2e: {  	s3 =	simm.s32 @!p0 $0x1082;
	s9 =	sld [smem:$0x3FAE]  }
0x2f: {  	lr =	sadd.s32 s0, s3;
	s0 =	sld [smem:$0x3FA5]  }
0x30: {  	s3 =	sld [smem:$0x3FA8]  }
0x31: {  	[smem:$0x3FB1] =	sst s10  }
0x32: {  	s10 =	sld [smem:$0x3FAF];
	_ =	sdelay $0x3  }
0x33: {  	p0 =	seq.s32 s10, $0x1;
	s10 =	sld [smem:$0x3FB1];
	_ =	sdelay $0x3  }
0x34: {  	[smem:$0x3FB1] =	sst s10  }
0x35: {  	s10 =	sld [smem:$0x3FB0];
	_ =	sdelay $0x3  }
0x36: {  	p1 =	seq.s32 s10, $0x1;
	s10 =	sld [smem:$0x3FB1];
	_ =	sdelay $0x3  }
0x37: {  	[smem:$0x3FB1] =	sst s10  }
0x38: {  	s10 =	sld [smem:$0x3FB2]  }
0x39: {  	_ = 	snop;
	(pc) =	sbr.ind lr, $3  }
0x3a: {  	_ = 	snop  }
0x3b: {  	_ = 	snop  }
0x3c: {  	p2 =	seq.s32 s10, $0x1;
	s10 =	sld [smem:$0x3FB1]  }
0x3d: {  	_ =	shalt  }
0x3e: {  	_ =	shalt  }
0x3f: {  	_ =	shalt  }
0x40: {  	_ =	shalt  }
0x41: {  	_ =	shalt  }
0x42: {  	_ =	shalt  }
0x43: {  	_ =	shalt  }
0x44: {  	_ =	shalt  }
0x45: {  	_ =	shalt  }
0x46: {  	_ =	shalt  }
0x47: {  	_ =	shalt  }
0x48: {  	_ =	shalt  }
0x49: {  	_ =	shalt  }
0x4a: {  	_ =	shalt  }
0x4b: {  	_ =	shalt  }
0x4c: {  	_ =	shalt  }
0x4d: {  	_ =	shalt  }
0x4e: {  	_ =	shalt  }
0x4f: {  	_ =	shalt  }
0x50: {  	_ =	shalt  }
0x51: {  	_ =	shalt  }
0x52: {  	_ =	shalt  }
0x53: {  	_ =	shalt  }
0x54: {  	_ =	shalt  }
0x55: {  	_ =	shalt  }
0x56: {  	_ =	shalt  }
0x57: {  	_ =	shalt  }
0x58: {  	_ =	shalt  }
0x59: {  	_ =	shalt  }
0x5a: {  	_ =	shalt  }
0x5b: {  	_ =	shalt  }
0x5c: {  	_ =	shalt  }
0x5d: {  	_ =	shalt  }
0x5e: {  	_ =	shalt  }
0x5f: {  	_ =	shalt  }
0x60: {  	_ =	shalt  }
0x61: {  	_ =	shalt  }
0x62: {  	_ =	shalt  }
0x63: {  	_ =	shalt  }
0x64: {  	_ =	shalt  }
0x65: {  	_ =	shalt  }
0x66: {  	_ =	shalt  }
0x67: {  	_ =	shalt  }
0x68: {  	_ =	shalt  }
0x69: {  	_ =	shalt  }
0x6a: {  	_ =	shalt  }
0x6b: {  	_ =	shalt  }
0x6c: {  	_ =	shalt  }
0x6d: {  	_ =	shalt  }
0x6e: {  	_ =	shalt  }
0x6f: {  	_ =	shalt  }
0x70: {  	_ =	shalt  }
0x71: {  	_ =	shalt  }
0x72: {  	_ =	shalt  }
0x73: {  	_ =	shalt  }
0x74: {  	_ =	shalt  }
0x75: {  	_ =	shalt  }
0x76: {  	_ =	shalt  }
0x77: {  	_ =	shalt  }
0x78: {  	_ =	shalt  }
0x79: {  	_ =	shalt  }
0x7a: {  	_ =	shalt  }
0x7b: {  	_ =	shalt  }
0x7c: {  	_ =	shalt  }
0x7d: {  	_ =	shalt  }
0x7e: {  	_ =	shalt  }
0x7f: {  	_ =	shalt  }
0x80: {  	_ =	shalt  }
0x81: {  	_ =	shalt  }
0x82: {  	_ =	shalt  }
0x83: {  	_ =	shalt  }
0x84: {  	_ =	shalt  }
0x85: {  	_ =	shalt  }
0x86: {  	_ =	shalt  }
0x87: {  	_ =	shalt  }
.Lfunc_end0:
.L_simem_size_0:
called_computation_lowered:
.L_overlay_start_0:
0x88: {  	s2 =	sld [smem:$0x3FD9]  }
0x89: {  	s3 =	sld [smem:$0x3FFE];
	_ =	sdelay $0x1  }
0x8a: {  	s1 =	srdreg.scid  }
0x8b: {  	s0 =	sand.u32 $0x1, s1  }
0x8c: {  	s17 =	sshll.u32 s0, $0xA;
	s2 =	sadd.s32 s3, s2  }
0x8d: {  	s2 =	sadd.s32 s2, s17  }
0x8e: {  	[smem:$0x3FBD] =	sst s2  }
0x8f: {  	_ = 	snop  }
0x90: {  	(tm) =	ssettm $0x1  }
0x91: {  	s18 =	sld [smem:$0x3FFB];
	_ =	sdelay $0x3  }
0x92: {  	_ =	strace s18  }
0x93: {  	s2 =	sld [smem:$0x3FFC];
	_ =	sdelay $0x3  }
0x94: {  	_ =	strace s2  }
0x95: {  	s2 =	sld [smem:$0x3FFD];
	_ =	sdelay $0x3  }
0x96: {  	_ =	strace s2  }
0x97: {  	_ =	strace $0x8FFFFFFF  }
0x98: {  	s19 =	sld [smem:$0x3FDB];
	_ =	sdelay $0x1  }
0x99: {  	s20 =	simm.s32 $_scs_section_size  }
0x9a: {  	s4 =	simm.s32 $_size__tile_overlayer_lowered;
	s5 =	simm.s32 $_tile_overlayer_lowered  }
0x9b: {  	s6 =	simm.s32 $0x1BFF;
	s21 =	sshll.u32 s5, $0x1;
	s3 =	sadd.s32 s20, s19  }
0x9c: {  	s22 =	simm.s32 $0x0;
	s4 =	sshll.u32 s4, $0x1;
	s5 =	sadd.s32 s21, s3  }
0x9d: {  	[timem:s22], [sflag:s6] =	dma.local [hbm:s5], s4  }
0x9e: {  	_ =	swait.ge [sflag:s6], s4  }
0x9f: {  	s4 =	ssub.s32 $0x0, s4;
	[sflag:s6] =	ssyncset.done $0x0  }
0xa0: {  	[sflag:s6] =	ssyncadd.s32 s4;
	_ =	sdelay $0x1  }
0xa1: {  	s23 =	simm.s32 $0x1B8B  }
0xa2: {  	_ =	swait.ge [sflag:s23], $0x1  }
0xa3: {  	[sflag:s23] =	ssyncset.done $0x0  }
0xa4: {  	[sflag:s23] =	ssyncadd.s32 $0xFFFFFFFF  }
0xa5: {  	s4 =	sld [smem:$0x0]  }
0xa6: {  	s5 =	sand.u32 $0xFFFFFFFE, s1  }
0xa7: {  	p0 =	sne.s32 s1, s5  }
0xa8: {  	s5 =	sshll.u32 @p0 s5, $0xE  }
0xa9: {  	s5 =	sadd.s32 @p0 $0x11B8D, s5;
	s6 =	sshll.u32 @p0 s4, $0x11  }
0xaa: {  	s5 =	sor.u32 @p0 s6, s5  }
0xab: {  	[sflag:s5] =	ssyncadd.remote.s32 @p0 $0x1;
	_ =	sdelay $0x1  }
0xac: {  	s5 =	simm.s32 @p0 $0x1B8D  }
0xad: {  	_ =	swait.eq @p0 [sflag:s5], $0x1  }
0xae: {  	[sflag:s5] =	ssyncadd.s32 @p0 $0xFFFFFFFF  }
0xaf: {  	s6 =	sshll.u32 @!p0 s1, $0xE  }
0xb0: {  	s6 =	sor.u32 @!p0 $0x4000, s6;
	s5 =	simm.s32 @!p0 $0x1B8D  }
0xb1: {  	s4 =	sshll.u32 @!p0 s4, $0x11;
	s6 =	sadd.s32 @!p0 $0x11B8D, s6;
	_ =	swait.eq @!p0 [sflag:s5], $0x1  }
0xb2: {  	s4 =	sor.u32 @!p0 s4, s6;
	[sflag:s5] =	ssyncadd.s32 @!p0 $0xFFFFFFFF  }
0xb3: {  	s25 =	simm.s32 $0x1B8E;
	s24 =	sld [smem:$0x3FFE];
	[sflag:s4] =	ssyncadd.remote.s32 @!p0 $0x1  }
0xb4: {  	s26 =	simm.s32 $execute0_lowered;
	[smem:$0x3FD2] =	sst s25  }
0xb5: {  	s5 =	sshll.u32 s26, $0x1;
	_ =	strace $0x80000049;
	[dreg:$0x1] =	wrdreg $0xFFFFFFFF  }
0xb6: {  	s28 =	simm.s32 $_size_execute0_lowered;
	s3 =	sadd.s32 s3, s5;
	[dreg:$0x0] =	wrdreg $0x0  }
0xb7: {  	s5 =	sshll.u32 s28, $0x1;
	[dreg:$0x2] =	wrdreg s3  }
0xb8: {  	[dreg:$0x3] =	wrdreg s5  }
0xb9: {  	[dreg:$0x4] =	wrdreg $0xC0  }
0xba: {  	_ =	task [dreg:s22], $0x5FFFF  }
0xbb: {  	[dreg:$0x1] =	wrdreg $0xFFFFFFFF  }
0xbc: {  	[dreg:$0x0] =	wrdreg $0x60  }
0xbd: {  	[dreg:$0x2] =	wrdreg s24  }
0xbe: {  	[dreg:$0x3] =	wrdreg $0x40800  }
0xbf: {  	[dreg:$0x4] =	wrdreg $0x9  }
0xc0: {  	_ =	task.clear_ibuf [dreg:s22], $0x5FFFF;
	_ =	strace $0x90000049  }
0xc1: {  	s29 =	simm.s32 $0x9;
	_ =	strace $0x8000004B  }
0xc2: {  	_ =	swait.ge [sflag:s29], $0x1  }
0xc3: {  	[sflag:s29] =	ssyncadd.s32 $0xFFFFFFFF  }
0xc4: {  	_ =	strace $0x9000004B  }
0xc5: {  	_ =	sfence  }
0xc6: {  	s30 =	sld [smem:$0x0];
	_ =	sdelay $0x2  }
0xc7: {  	s31 =	sshll.u32 s1, $0xD;
	s1 =	sshrl.u32 s1, $0x2  }
0xc8: {  	s4 =	sand.u32 $0x4000, s31;
	s1 =	sadd.s32 s1, s30  }
0xc9: {  	s0 =	sor.u32 s4, s0;
	s1 =	sshll.u32 s1, $0x11  }
0xca: {  	s0 =	sor.u32 s1, s0  }
0xcb: {  	s0 =	sadd.s32 $0x8F2B, s0  }
0xcc: {  	[sflag:s0] =	ssyncadd.remote.s32 $0x1  }
0xcd: {  	_ =	sfence.sel $0xFFFF  }
0xce: {  	[dreg:$0x0] =	wrdreg $0xFFFFFFFF;
	(pc) =	sbr.abs _section_cstart, $3  }
0xcf: {  	[dreg:$0x1] =	wrdreg $0xFFFFFFFF  }
0xd0: {  	_ =	task.clear_ibuf [dreg:s22], $0x2FFFF;
	_ =	strace $0x9FFFFFFF  }
0xd1: {  	(tm) =	ssettm $0x7FFFFFFF  }
tec
execute0_lowered:
.L_overlay_start_1:
0x0: {  	(tag) =	ssettag $0x1  }
0x1: {  	s6 =	rddreg [dreg:$0x0];
	s1 =	stileid.u32  }
0x2: {  	s0 =	srdreg.scid;
	s5 =	smul.u32 $0x2800, s1  }
0x3: {  	s2 =	rddreg [dreg:$0x1];
	s3 =	simm.s32 $0x0;
	s10 =	smul.u32 $0x50000, s1  }
0x4: {  	s7 =	sand.u32 $0x1, s0;
	s0 =	rddreg [dreg:$0x2];
	s11 =	smul.u32 $0x500, s1  }
0x5: {  	s13 =	simm.s32 $0x0;
	[smem:$0x7FF] =	sst s3;
	s4 =	smul.u32 $0x5000, s7  }
0x6: {  	s31 =	sshll.u32 s1, $0x6;
	s8 =	smul.u32 $0x28000, s7;
	s30 =	ssub.s32 $0x2, s7  }
0x7: {  	_ =	strace $0x8000004A;
	s7 =	sshrl.u32 s30, $0x1;
	s10 =	sshrl.u32 s10, $0x2  }
0x8: {  	s9 =	sadd.s32 s4, s6;
	s4 =	sadd.s32 $0x6A400, s6;
	s8 =	sadd.s32 s5, s8  }
0x9: {  	s5 =	sadd.s32 $0x17C00, s6;
	s12 =	ssub.s32 s30, s7;
	s10 =	sadd.s32 s10, s2  }
0xa: {  	s8 =	sadd.s32 s8, s6;
	s6 =	sor.u32 $0x1C01, s31;
	s9 =	sadd.s32 s11, s9  }
0xb: {  	s10 =	sshrl.u32 s10, $0x3;
	s11 =	simm.s32 $0x1;
	s7 =	sadd.s32 $0x6AC00, s8  }
0xc: {  	s8 =	smax.u32 s12, $0x1;
	s9 =	sadd.s32 $0xDC00, s9;
	s12 =	simm.s32 $0x80  }
.LBB2_1:
0xd: {  	[spmem:s10], [sflag:s6] =	dma.local [hbm:s5], $0x2800  }
0xe: {  	_ =	swait.ge [sflag:s11], $0x2800  }
0xf: {  	[sflag:s11] =	ssyncset.done $0x0  }
0x10: {  	[sflag:s11] =	ssyncadd.s32 $0xFFFFD800  }
0x11: {  	[tilespmem:s12], [sflag:$0x1] =	stream.linear.gather [hbm4b:s4+s3], $0x4000, $0x38;
	[tilespmem:$0x18080] =	vst v63  }
0x12: {  	_ =	swait.ge [sflag:s11], $0x4000  }
0x13: {  	[sflag:s11] =	ssyncset.done $0x0  }
0x14: {  	[sflag:s11] =	ssyncadd.s32 $0xFFFFC000  }
0x15: {  	s14 =	sadd.s32 $0x0, s9;
	[bflag:$0x0] =	sbarrier.arrive $0xFFFF  }
0x16: {  	[tilespmem:s3], [sflag:$0x1] =	stream.linear.gather [hbm4b:s14+s3], $0x80, $0x38;
	[tilespmem:$0x18080] =	vst v63  }
0x17: {  	_ =	swait.ge [sflag:s11], $0x80  }
0x18: {  	[sflag:s11] =	ssyncset.done $0x0  }
0x19: {  	[sflag:s11] =	ssyncadd.s32 $0xFFFFFF80  }
0x1a: {  	[spmem:s2] =	stream.indirect.scatter.add.f32 [tilespmem:s12], [sflag:$0x1], $0x80, s3, s12, $0xb8;
	[tilespmem:$0x18080] =	vst v63  }
0x1b: {  	_ =	swait.ge [sflag:s11], $0x4000  }
0x1c: {  	s15 =	simm.s32 $0x20;
	s14 =	simm.s32 $0x10;
	[sflag:s11] =	ssyncset.done $0x0  }
.LBB2_2:
0x1d: {  	s16 =	sadd.s32 s14, s9  }
0x1e: {  	[sflag:s11] =	ssyncadd.s32 $0xFFFFC000;
	s14 =	smov.u32 s15;
	s17 =	sadd.s32 $0x10, s15  }
0x1f: {  	[tilespmem:s3], [sflag:$0x1] =	stream.linear.gather [hbm4b:s16+s3], $0x80, $0x38;
	[tilespmem:$0x18080] =	vst v63  }
0x20: {  	p0 =	sne.s32 s15, $0x4F0;
	_ =	swait.ge [sflag:s11], $0x80  }
.Ltmp0:
0x21: {  	[sflag:s11] =	ssyncset.done $0x0;
	(pc) =	sbr.rel @p0 .LBB2_2-.Ltmp0, $4  }
0x22: {  	[sflag:s11] =	ssyncadd.s32 $0xFFFFFF80  }
0x23: {  	[spmem:s2] =	stream.indirect.scatter.add.f32 [tilespmem:s12], [sflag:$0x1], $0x80, s3, s12, $0xb8;
	[tilespmem:$0x18080] =	vst v63  }
0x24: {  	_ =	swait.ge [sflag:s11], $0x4000  }
0x25: {  	s15 =	smov.u32 s17;
	[sflag:s11] =	ssyncset.done $0x0  }
0x26: {  	s14 =	sadd.s32 s14, s9;
	[sflag:s11] =	ssyncadd.s32 $0xFFFFC000  }
0x27: {  	[tilespmem:s3], [sflag:$0x1] =	stream.linear.gather [hbm4b:s14+s3], $0x80, $0x38;
	[tilespmem:$0x18080] =	vst v63  }
0x28: {  	_ =	swait.ge [sflag:s11], $0x80  }
0x29: {  	[sflag:s11] =	ssyncset.done $0x0  }
0x2a: {  	[sflag:s11] =	ssyncadd.s32 $0xFFFFFF80  }
0x2b: {  	[spmem:s2] =	stream.indirect.scatter.add.f32 [tilespmem:s12], [sflag:$0x1], $0x80, s3, s12, $0xb8;
	[tilespmem:$0x18080] =	vst v63  }
0x2c: {  	_ =	swait.ge [sflag:s11], $0x4000  }
0x2d: {  	s13 =	sadd.s32 $0x1, s13;
	[sflag:s11] =	ssyncset.done $0x0  }
0x2e: {  	p0 =	sne.s32 s13, s8;
	[sflag:s11] =	ssyncadd.s32 $0xFFFFC000  }
.Ltmp1:
0x2f: {  	[bflag:$0x0] =	sbarrier.arrive $0xFFFF;
	(pc) =	sbr.rel @p0 .LBB2_1-.Ltmp1, $4  }
0x30: {  	[hbm:s7], [sflag:s6] =	dma.local [spmem:s10], $0x2800  }
0x31: {  	_ =	swait.ge [sflag:s11], $0x2800  }
0x32: {  	[sflag:s11] =	ssyncset.done $0x0  }
0x33: {  	[sflag:s11] =	ssyncadd.s32 $0xFFFFD800  }
0x34: {  	_ =	sfence.sel $0x180000  }
0x35: {  	[bflag:$0x0] =	sbarrier.arrive $0xFFFF  }
0x36: {  	p0 =	sne.s32 s1, $0x0;
	_ =	strace $0x9000004A  }
0x37: {  	s0 =	sadd.s32 @!p0 $0x100000, s0;
	[bflag:$0x2] =	sbarrier.arrive $0xFFFF  }
0x38: {  	[sflag:s0] =	ssyncadd.tile.s32 @!p0 $0x1;
	_ =	shalt  }
.Lfunc_end2:
_tile_overlayer_lowered:
.L_overlay_start_2:
0x39: {  	(tag) =	ssettag $0x2  }
0x3a: {  	s0 =	rddreg [dreg:$0x0];
	s2 =	stileid.u32  }
0x3b: {  	s1 =	rddreg [dreg:$0x1];
	p0 =	sne.s32 s2, $0x0  }
0x3c: {  	s3 =	rddreg [dreg:$0x2];
	[bflag:$0x3] =	sbarrier.arrive $0xFFFF;
	s2 =	simm.s32 @!p0 $0x1C01  }
0x3d: {  	[timem:s3], [sflag:s2] =	dma.local @!p0 [hbm:s0], s1  }
0x3e: {  	s0 =	simm.s32 @!p0 $0x1  }
0x3f: {  	_ =	swait.ge @!p0 [sflag:s0], s1  }
0x40: {  	s1 =	ssub.s32 @!p0 $0x0, s1;
	[sflag:s0] =	ssyncset.done @!p0 $0x0  }
0x41: {  	[sflag:s0] =	ssyncadd.s32 @!p0 s1  }
0x42: {  	[bflag:$0x3] =	sbarrier.arrive $0xFFFF  }
0x43: {  	_ =	shalt  }

</sc_bundles>
